<compile_context>
chip_gen: v7x
topology: tpu7x:2x2x1
jax: 0.10.2.dev20260603
libtpu: 0.0.44.dev20260713+nightly
codegen_flags: <defaults>
</compile_context>

<pallas_src>
import jax
import jax.numpy as jnp
from jax import lax
from jax.experimental import pallas as pl
from jax.experimental.pallas import tpu as pltpu
from jax.experimental.pallas import tpu_sc as plsc

B = 32
C = 96
H = 96
W = 96
HP = H + 2
WP = W + 2
RPAD = 104
PITCH = 128
IN_IMG = H * W
OUT_IMG = RPAD * PITCH
CH_PER = 2
NSTEP = C // CH_PER
IN_CHUNK = CH_PER * IN_IMG
OUT_CHUNK = CH_PER * OUT_IMG

NC = 2
NS = 16


def _body(x_hbm, out_hbm, in_v, out_v, pad_v):
    b = lax.axis_index("s") * NC + lax.axis_index("c")

    third = jnp.float32(1.0 / 3.0)

    one = jnp.float32(1.0)
    zero = jnp.float32(0.0)
    pb = b % 16
    tz = jnp.where(pb < 4, zero, one)
    bz = jnp.where(pb >= 12, zero, one)
    lz = jnp.where(b % 4 == 0, zero, one)
    rz = jnp.where(b % 4 == 3, zero, one)

    pad_v[pl.ds(W, 16)] = jnp.zeros((16,), jnp.float32)

    def step(t, carry):
        in_off = b * (C * IN_IMG) + t * IN_CHUNK
        out_off = b * (C * OUT_IMG) + t * OUT_CHUNK
        pltpu.sync_copy(x_hbm.at[pl.ds(in_off, IN_CHUNK)], in_v)

        for img in range(CH_PER):
            ib = img * IN_IMG
            ob = img * OUT_IMG

            for srow, dbase, mz in (
                (0, ob, tz),
                ((H - 1) * W, ob + (HP - 1) * PITCH, bz),
            ):
                for k in range(W // 16):
                    pad_v[pl.ds(k * 16, 16)] = in_v[pl.ds(ib + srow + k * 16, 16)]
                out_v[pl.ds(dbase + 82, 16)] = pad_v[pl.ds(W - 16, 16)] * (mz * rz)
                out_v[pl.ds(dbase, 16)] = pad_v[pl.ds(0, 16)] * (mz * lz)
                for k in range(W // 16):
                    j = k * 16
                    tv = (pad_v[pl.ds(j, 16)] + pad_v[pl.ds(j + 1, 16)] +
                          pad_v[pl.ds(j + 2, 16)]) * third * mz
                    out_v[pl.ds(dbase + j + 1, 16)] = tv

            def row(r, c2):
                src = ib + r * W
                dst = ob + (r + 1) * PITCH
                ra = in_v[pl.ds(src + W - 18, 16)]
                rb = in_v[pl.ds(src + W - 17, 16)]
                rc = in_v[pl.ds(src + W - 16, 16)]
                out_v[pl.ds(dst + 82, 16)] = (ra + rb + rc) * third * rz
                la = in_v[pl.ds(src, 16)]
                lb = in_v[pl.ds(src + 1, 16)]
                lc = in_v[pl.ds(src + 2, 16)]
                out_v[pl.ds(dst, 16)] = (la + lb + lc) * third * lz
                out_v[pl.ds(dst + 1, 16)] = la
                for k in range(1, W // 16):
                    out_v[pl.ds(dst + 1 + k * 16, 16)] = \
                        in_v[pl.ds(src + k * 16, 16)]
                return c2

            lax.fori_loop(0, H, row, 0, unroll=4)

        pltpu.sync_copy(out_v, out_hbm.at[pl.ds(out_off, OUT_CHUNK)])
        return carry

    lax.fori_loop(0, NSTEP, step, 0)


@jax.jit
def kernel(x):
    mesh = plsc.VectorSubcoreMesh(
        core_axis_name="c", subcore_axis_name="s",
        num_cores=NC, num_subcores=NS,
    )
    run = pl.kernel(
        _body,
        out_type=jax.ShapeDtypeStruct((B * C * OUT_IMG,), jnp.float32),
        mesh=mesh,
        compiler_params=pltpu.CompilerParams(needs_layout_passes=False),
        scratch_types=[
            pltpu.VMEM((IN_CHUNK,), jnp.float32),
            pltpu.VMEM((OUT_CHUNK,), jnp.float32),
            pltpu.VMEM((112,), jnp.float32),
        ],
    )
    y = run(x.reshape(-1))
    return y.reshape(B, C, RPAD, PITCH)[:, :, :HP, :WP]

# --- scband reference (transcript-rebuilt; emitter-appended) ---
"""Pipeline reference for scband-mean-3px-pad2d-11742440587597 (READ-ONLY COPY).

The authoritative reference and input builder live on the scoring server;
editing this copy changes nothing except your own understanding.
"""

import jax, jax.numpy as jnp
import numpy as np

PADDING = 1
NUM_PATCHES = 4


def setup_inputs(seed: int = 0) -> dict:
    key = jax.random.key(seed)
    x = jax.random.normal(key, (32, 96, 96, 96), dtype=jnp.float32)
    return {"x": x}


def _mean3_w(t):
    # emulate F.conv2d(F.pad(t, (0,2), value=0), ones(1,3)/3): window-3 mean along W with 2 zeros padded on the right
    Wt = t.shape[3]
    tp = jnp.pad(t, ((0, 0), (0, 0), (0, 0), (0, 2)), mode='constant', constant_values=0.0)
    return (tp[..., 0:Wt] + tp[..., 1:Wt + 1] + tp[..., 2:Wt + 2]) / 3.0


def _forward(x):
    pad = PADDING
    P = NUM_PATCHES
    b, C, H, W = x.shape
    B = b // (P * P)
    top = jnp.tile(jnp.arange(P), B) + jnp.repeat(jnp.arange(0, b, P * P), P)
    bot = jnp.tile(jnp.arange(P * P - P, P * P), B) + jnp.repeat(jnp.arange(0, b, P * P), P)
    left = jnp.arange(0, b, P)
    right = jnp.arange(P - 1, b, P)

    top_pad = _mean3_w(x[:, :, :pad, :])
    bot_pad = _mean3_w(x[:, :, H - pad:, :])
    left_pad = jnp.mean(x[:, :, :, :3], axis=3, keepdims=True)
    right_pad = jnp.mean(x[:, :, :, W - 3:], axis=3, keepdims=True)

    xp = jnp.pad(x, ((0, 0), (0, 0), (pad, pad), (pad, pad)), mode='edge')
    xp = xp.at[:, :, :pad, pad:W + pad].set(top_pad)
    xp = xp.at[:, :, H + pad:, pad:W + pad].set(bot_pad)
    xp = xp.at[:, :, pad:H + pad, :pad].set(left_pad)
    xp = xp.at[:, :, pad:H + pad, W + pad:].set(right_pad)

    xp = xp.at[top, :, :pad, :].set(0.0)
    xp = xp.at[bot, :, H + pad, :].set(0.0)
    xp = xp.at[left, :, :, :pad].set(0.0)
    xp = xp.at[right, :, :, W + pad:].set(0.0)
    return xp


def reference(x):
    return _forward(x)

if __name__ == "__main__":
    import jax
    _d = setup_inputs()
    print(jax.jit(kernel)(*tuple(_d.values())))

</pallas_src>

<mosaic_0001>
#map = affine_map<(d0, d1) -> (0)>
module attributes {stable_mosaic.version = 14 : i64} {
  func.func @_body(%arg0: i32, %arg1: i32, %arg2: memref<28311552xf32, #tpu.memory_space<hbm>>, %arg3: memref<40894464xf32, #tpu.memory_space<hbm>>, %arg4: memref<18432xf32, #tpu.memory_space<vmem>>, %arg5: memref<26624xf32, #tpu.memory_space<vmem>>, %arg6: memref<112xf32, #tpu.memory_space<vmem>>) attributes {dimension_semantics = [#tpu.dimension_semantics<core_parallel>, #tpu.dimension_semantics<subcore_parallel>], iteration_bounds = array<i64: 2, 16>, scalar_prefetch = 0 : i64, scratch_operands = 3 : i64, tpu.core_type = #tpu.core_type<sc_vector_subcore>, window_params = [{transform_indices = #map}, {transform_indices = #map}]} {
    %mul3A = arith.constant 2 : i32
    %mul3A_0 = arith.muli %arg1, %mul3A : i32
    %add3A = arith.addi %mul3A_0, %arg0 : i32
    %jit3A = arith.constant 16 : i32
    %eq3A = arith.constant 0 : i32
    %eq3A_1 = arith.cmpi eq, %jit3A, %eq3A : i32
    %jit3A_2 = arith.constant 1 : i32
    %select_n3A = arith.select %eq3A_1, %jit3A_2, %jit3A : i32
    %rem3A = arith.remsi %add3A, %select_n3A : i32
    %ne3A = arith.constant 0 : i32
    %ne3A_3 = arith.cmpi ne, %rem3A, %ne3A : i32
    %lt3A = arith.constant 0 : i32
    %lt3A_4 = arith.cmpi slt, %rem3A, %lt3A : i32
    %lt3A_5 = arith.constant 0 : i32
    %lt3A_6 = arith.cmpi slt, %select_n3A, %lt3A_5 : i32
    %ne3A_7 = arith.xori %lt3A_4, %lt3A_6 : i1
    %and3A = arith.andi %ne3A_7, %ne3A_3 : i1
    %add3A_8 = arith.addi %rem3A, %select_n3A : i32
    %select_n3A_9 = arith.select %and3A, %add3A_8, %rem3A : i32
    %lt3A_10 = arith.constant 4 : i32
    %lt3A_11 = arith.cmpi slt, %select_n3A_9, %lt3A_10 : i32
    %jit3A_12 = arith.constant 0.000000e+00 : f32
    %jit3A_13 = arith.constant 1.000000e+00 : f32
    %select_n3A_14 = arith.select %lt3A_11, %jit3A_12, %jit3A_13 : f32
    %ge3A = arith.constant 12 : i32
    %ge3A_15 = arith.cmpi sge, %select_n3A_9, %ge3A : i32
    %jit3A_16 = arith.constant 0.000000e+00 : f32
    %jit3A_17 = arith.constant 1.000000e+00 : f32
    %select_n3A_18 = arith.select %ge3A_15, %jit3A_16, %jit3A_17 : f32
    %jit3A_19 = arith.constant 4 : i32
    %eq3A_20 = arith.constant 0 : i32
    %eq3A_21 = arith.cmpi eq, %jit3A_19, %eq3A_20 : i32
    %jit3A_22 = arith.constant 1 : i32
    %select_n3A_23 = arith.select %eq3A_21, %jit3A_22, %jit3A_19 : i32
    %rem3A_24 = arith.remsi %add3A, %select_n3A_23 : i32
    %ne3A_25 = arith.constant 0 : i32
    %ne3A_26 = arith.cmpi ne, %rem3A_24, %ne3A_25 : i32
    %lt3A_27 = arith.constant 0 : i32
    %lt3A_28 = arith.cmpi slt, %rem3A_24, %lt3A_27 : i32
    %lt3A_29 = arith.constant 0 : i32
    %lt3A_30 = arith.cmpi slt, %select_n3A_23, %lt3A_29 : i32
    %ne3A_31 = arith.xori %lt3A_28, %lt3A_30 : i1
    %and3A_32 = arith.andi %ne3A_31, %ne3A_26 : i1
    %add3A_33 = arith.addi %rem3A_24, %select_n3A_23 : i32
    %select_n3A_34 = arith.select %and3A_32, %add3A_33, %rem3A_24 : i32
    %eq3A_35 = arith.constant 0 : i32
    %eq3A_36 = arith.cmpi eq, %select_n3A_34, %eq3A_35 : i32
    %jit3A_37 = arith.constant 0.000000e+00 : f32
    %jit3A_38 = arith.constant 1.000000e+00 : f32
    %select_n3A_39 = arith.select %eq3A_36, %jit3A_37, %jit3A_38 : f32
    %jit3A_40 = arith.constant 4 : i32
    %eq3A_41 = arith.constant 0 : i32
    %eq3A_42 = arith.cmpi eq, %jit3A_40, %eq3A_41 : i32
    %jit3A_43 = arith.constant 1 : i32
    %select_n3A_44 = arith.select %eq3A_42, %jit3A_43, %jit3A_40 : i32
    %rem3A_45 = arith.remsi %add3A, %select_n3A_44 : i32
    %ne3A_46 = arith.constant 0 : i32
    %ne3A_47 = arith.cmpi ne, %rem3A_45, %ne3A_46 : i32
    %lt3A_48 = arith.constant 0 : i32
    %lt3A_49 = arith.cmpi slt, %rem3A_45, %lt3A_48 : i32
    %lt3A_50 = arith.constant 0 : i32
    %lt3A_51 = arith.cmpi slt, %select_n3A_44, %lt3A_50 : i32
    %ne3A_52 = arith.xori %lt3A_49, %lt3A_51 : i1
    %and3A_53 = arith.andi %ne3A_52, %ne3A_47 : i1
    %add3A_54 = arith.addi %rem3A_45, %select_n3A_44 : i32
    %select_n3A_55 = arith.select %and3A_53, %add3A_54, %rem3A_45 : i32
    %eq3A_56 = arith.constant 3 : i32
    %eq3A_57 = arith.cmpi eq, %select_n3A_55, %eq3A_56 : i32
    %jit3A_58 = arith.constant 0.000000e+00 : f32
    %jit3A_59 = arith.constant 1.000000e+00 : f32
    %select_n3A_60 = arith.select %eq3A_57, %jit3A_58, %jit3A_59 : f32
    %broadcast_in_dim3A = arith.constant 0.000000e+00 : f32
    %broadcast_in_dim3A_61 = vector.broadcast %broadcast_in_dim3A : f32 to vector<16xf32>
    %swap3A = arith.constant 96 : index
    %swap3A_62 = tpu.vector_load %arg6[%swap3A] {strides = array<i32>} : memref<112xf32, #tpu.memory_space<vmem>>, vector<16xf32>,
    tpu.vector_store %arg6[%swap3A], %broadcast_in_dim3A_61 {strides = array<i32>} : memref<112xf32, #tpu.memory_space<vmem>>, vector<16xf32>,
    %scan3A = arith.constant 0 : i32
    %scan3A_63 = arith.constant 0.333333343 : f32
    %scan3A_64 = arith.constant 0 : i32
    %scan3A_65 = arith.constant 48 : i32
    %scan3A_66 = arith.addi %scan3A_64, %scan3A_65 : i32
    %scan3A_67 = arith.constant 1 : i32
    scf.for %scan3A_69 = %scan3A_64 to %scan3A_66 step %scan3A_67  : i32 {
      %mul3A_70 = arith.constant 884736 : i32
      %mul3A_71 = arith.muli %add3A, %mul3A_70 : i32
      %mul3A_72 = arith.constant 18432 : i32
      %mul3A_73 = arith.muli %scan3A_69, %mul3A_72 : i32
      %add3A_74 = arith.addi %mul3A_71, %mul3A_73 : i32
      %mul3A_75 = arith.constant 1277952 : i32
      %mul3A_76 = arith.muli %add3A, %mul3A_75 : i32
      %mul3A_77 = arith.constant 26624 : i32
      %mul3A_78 = arith.muli %scan3A_69, %mul3A_77 : i32
      %add3A_79 = arith.addi %mul3A_76, %mul3A_78 : i32
      "tpu.region"() ({
        %run_scoped3A = tpu.sem_alloc : memref<!tpu.dma_semaphore, #tpu.memory_space<semaphore_mem>>
        %dma_start3A = tpu.memref_slice %arg2[%add3A_74] : memref<28311552xf32, #tpu.memory_space<hbm>> -> memref<18432xf32, #tpu.memory_space<hbm>>
        %dma_start3A_579 = tpu.memref_slice %arg2[%add3A_74] : memref<28311552xf32, #tpu.memory_space<hbm>> -> memref<18432xf32, #tpu.memory_space<hbm>>
        tpu.enqueue_dma source(%dma_start3A_579 : memref<18432xf32, #tpu.memory_space<hbm>>) target(%arg4 : memref<18432xf32, #tpu.memory_space<vmem>>) target_semaphore(%run_scoped3A : memref<!tpu.dma_semaphore, #tpu.memory_space<semaphore_mem>>)
        %dma_wait3A = tpu.memref_slice %arg2[%add3A_74] : memref<28311552xf32, #tpu.memory_space<hbm>> -> memref<18432xf32, #tpu.memory_space<hbm>>
        %dma_wait3A_580 = tpu.memref_slice %arg2[%add3A_74] : memref<28311552xf32, #tpu.memory_space<hbm>> -> memref<18432xf32, #tpu.memory_space<hbm>>
        tpu.wait_dma2 semaphore(%run_scoped3A : memref<!tpu.dma_semaphore, #tpu.memory_space<semaphore_mem>>) src(%dma_wait3A_580 : memref<18432xf32, #tpu.memory_space<hbm>>) dst(%arg4 : memref<18432xf32, #tpu.memory_space<vmem>>)
        tpu.yield
      }) : () -> ()
      %get3A = arith.constant 0 : index
      %get3A_80 = tpu.vector_load %arg4[%get3A] {strides = array<i32>} : memref<18432xf32, #tpu.memory_space<vmem>>, vector<16xf32>,
      %swap3A_81 = arith.constant 0 : index
      %swap3A_82 = tpu.vector_load %arg6[%swap3A_81] {strides = array<i32>} : memref<112xf32, #tpu.memory_space<vmem>>, vector<16xf32>,
      tpu.vector_store %arg6[%swap3A_81], %get3A_80 {strides = array<i32>} : memref<112xf32, #tpu.memory_space<vmem>>, vector<16xf32>,
      %get3A_83 = arith.constant 16 : index
      %get3A_84 = tpu.vector_load %arg4[%get3A_83] {strides = array<i32>} : memref<18432xf32, #tpu.memory_space<vmem>>, vector<16xf32>,
      %swap3A_85 = arith.constant 16 : index
      %swap3A_86 = tpu.vector_load %arg6[%swap3A_85] {strides = array<i32>} : memref<112xf32, #tpu.memory_space<vmem>>, vector<16xf32>,
      tpu.vector_store %arg6[%swap3A_85], %get3A_84 {strides = array<i32>} : memref<112xf32, #tpu.memory_space<vmem>>, vector<16xf32>,
      %get3A_87 = arith.constant 32 : index
      %get3A_88 = tpu.vector_load %arg4[%get3A_87] {strides = array<i32>} : memref<18432xf32, #tpu.memory_space<vmem>>, vector<16xf32>,
      %swap3A_89 = arith.constant 32 : index
      %swap3A_90 = tpu.vector_load %arg6[%swap3A_89] {strides = array<i32>} : memref<112xf32, #tpu.memory_space<vmem>>, vector<16xf32>,
      tpu.vector_store %arg6[%swap3A_89], %get3A_88 {strides = array<i32>} : memref<112xf32, #tpu.memory_space<vmem>>, vector<16xf32>,
      %get3A_91 = arith.constant 48 : index
      %get3A_92 = tpu.vector_load %arg4[%get3A_91] {strides = array<i32>} : memref<18432xf32, #tpu.memory_space<vmem>>, vector<16xf32>,
      %swap3A_93 = arith.constant 48 : index
      %swap3A_94 = tpu.vector_load %arg6[%swap3A_93] {strides = array<i32>} : memref<112xf32, #tpu.memory_space<vmem>>, vector<16xf32>,
      tpu.vector_store %arg6[%swap3A_93], %get3A_92 {strides = array<i32>} : memref<112xf32, #tpu.memory_space<vmem>>, vector<16xf32>,
      %get3A_95 = arith.constant 64 : index
      %get3A_96 = tpu.vector_load %arg4[%get3A_95] {strides = array<i32>} : memref<18432xf32, #tpu.memory_space<vmem>>, vector<16xf32>,
      %swap3A_97 = arith.constant 64 : index
      %swap3A_98 = tpu.vector_load %arg6[%swap3A_97] {strides = array<i32>} : memref<112xf32, #tpu.memory_space<vmem>>, vector<16xf32>,
      tpu.vector_store %arg6[%swap3A_97], %get3A_96 {strides = array<i32>} : memref<112xf32, #tpu.memory_space<vmem>>, vector<16xf32>,
      %get3A_99 = arith.constant 80 : index
      %get3A_100 = tpu.vector_load %arg4[%get3A_99] {strides = array<i32>} : memref<18432xf32, #tpu.memory_space<vmem>>, vector<16xf32>,
      %swap3A_101 = arith.constant 80 : index
      %swap3A_102 = tpu.vector_load %arg6[%swap3A_101] {strides = array<i32>} : memref<112xf32, #tpu.memory_space<vmem>>, vector<16xf32>,
      tpu.vector_store %arg6[%swap3A_101], %get3A_100 {strides = array<i32>} : memref<112xf32, #tpu.memory_space<vmem>>, vector<16xf32>,
      %get3A_103 = arith.constant 80 : index
      %get3A_104 = tpu.vector_load %arg6[%get3A_103] {strides = array<i32>} : memref<112xf32, #tpu.memory_space<vmem>>, vector<16xf32>,
      %mul3A_105 = arith.mulf %select_n3A_14, %select_n3A_60 : f32
      %mul3A_106 = vector.broadcast %mul3A_105 : f32 to vector<16xf32>
      %mul3A_107 = arith.mulf %get3A_104, %mul3A_106 : vector<16xf32>
      %swap3A_108 = arith.constant 82 : index
      %swap3A_109 = tpu.vector_load %arg5[%swap3A_108] {strides = array<i32>} : memref<26624xf32, #tpu.memory_space<vmem>>, vector<16xf32>,
      tpu.vector_store %arg5[%swap3A_108], %mul3A_107 {strides = array<i32>} : memref<26624xf32, #tpu.memory_space<vmem>>, vector<16xf32>,
      %get3A_110 = arith.constant 0 : index
      %get3A_111 = tpu.vector_load %arg6[%get3A_110] {strides = array<i32>} : memref<112xf32, #tpu.memory_space<vmem>>, vector<16xf32>,
      %mul3A_112 = arith.mulf %select_n3A_14, %select_n3A_39 : f32
      %mul3A_113 = vector.broadcast %mul3A_112 : f32 to vector<16xf32>
      %mul3A_114 = arith.mulf %get3A_111, %mul3A_113 : vector<16xf32>
      %swap3A_115 = arith.constant 0 : index
      %swap3A_116 = tpu.vector_load %arg5[%swap3A_115] {strides = array<i32>} : memref<26624xf32, #tpu.memory_space<vmem>>, vector<16xf32>,
      tpu.vector_store %arg5[%swap3A_115], %mul3A_114 {strides = array<i32>} : memref<26624xf32, #tpu.memory_space<vmem>>, vector<16xf32>,
      %get3A_117 = arith.constant 0 : index
      %get3A_118 = tpu.vector_load %arg6[%get3A_117] {strides = array<i32>} : memref<112xf32, #tpu.memory_space<vmem>>, vector<16xf32>,
      %get3A_119 = arith.constant 1 : index
      %get3A_120 = tpu.vector_load %arg6[%get3A_119] {strides = array<i32>} : memref<112xf32, #tpu.memory_space<vmem>>, vector<16xf32>,
      %add3A_121 = arith.addf %get3A_118, %get3A_120 : vector<16xf32>
      %get3A_122 = arith.constant 2 : index
      %get3A_123 = tpu.vector_load %arg6[%get3A_122] {strides = array<i32>} : memref<112xf32, #tpu.memory_space<vmem>>, vector<16xf32>,
      %add3A_124 = arith.addf %add3A_121, %get3A_123 : vector<16xf32>
      %mul3A_125 = vector.broadcast %scan3A_63 : f32 to vector<16xf32>
      %mul3A_126 = arith.mulf %add3A_124, %mul3A_125 : vector<16xf32>
      %mul3A_127 = vector.broadcast %select_n3A_14 : f32 to vector<16xf32>
      %mul3A_128 = arith.mulf %mul3A_126, %mul3A_127 : vector<16xf32>
      %swap3A_129 = arith.constant 1 : index
      %swap3A_130 = tpu.vector_load %arg5[%swap3A_129] {strides = array<i32>} : memref<26624xf32, #tpu.memory_space<vmem>>, vector<16xf32>,
      tpu.vector_store %arg5[%swap3A_129], %mul3A_128 {strides = array<i32>} : memref<26624xf32, #tpu.memory_space<vmem>>, vector<16xf32>,
      %get3A_131 = arith.constant 16 : index
      %get3A_132 = tpu.vector_load %arg6[%get3A_131] {strides = array<i32>} : memref<112xf32, #tpu.memory_space<vmem>>, vector<16xf32>,
      %get3A_133 = arith.constant 17 : index
      %get3A_134 = tpu.vector_load %arg6[%get3A_133] {strides = array<i32>} : memref<112xf32, #tpu.memory_space<vmem>>, vector<16xf32>,
      %add3A_135 = arith.addf %get3A_132, %get3A_134 : vector<16xf32>
      %get3A_136 = arith.constant 18 : index
      %get3A_137 = tpu.vector_load %arg6[%get3A_136] {strides = array<i32>} : memref<112xf32, #tpu.memory_space<vmem>>, vector<16xf32>,
      %add3A_138 = arith.addf %add3A_135, %get3A_137 : vector<16xf32>
      %mul3A_139 = vector.broadcast %scan3A_63 : f32 to vector<16xf32>
      %mul3A_140 = arith.mulf %add3A_138, %mul3A_139 : vector<16xf32>
      %mul3A_141 = vector.broadcast %select_n3A_14 : f32 to vector<16xf32>
      %mul3A_142 = arith.mulf %mul3A_140, %mul3A_141 : vector<16xf32>
      %swap3A_143 = arith.constant 17 : index
      %swap3A_144 = tpu.vector_load %arg5[%swap3A_143] {strides = array<i32>} : memref<26624xf32, #tpu.memory_space<vmem>>, vector<16xf32>,
      tpu.vector_store %arg5[%swap3A_143], %mul3A_142 {strides = array<i32>} : memref<26624xf32, #tpu.memory_space<vmem>>, vector<16xf32>,
      %get3A_145 = arith.constant 32 : index
      %get3A_146 = tpu.vector_load %arg6[%get3A_145] {strides = array<i32>} : memref<112xf32, #tpu.memory_space<vmem>>, vector<16xf32>,
      %get3A_147 = arith.constant 33 : index
      %get3A_148 = tpu.vector_load %arg6[%get3A_147] {strides = array<i32>} : memref<112xf32, #tpu.memory_space<vmem>>, vector<16xf32>,
      %add3A_149 = arith.addf %get3A_146, %get3A_148 : vector<16xf32>
      %get3A_150 = arith.constant 34 : index
      %get3A_151 = tpu.vector_load %arg6[%get3A_150] {strides = array<i32>} : memref<112xf32, #tpu.memory_space<vmem>>, vector<16xf32>,
      %add3A_152 = arith.addf %add3A_149, %get3A_151 : vector<16xf32>
      %mul3A_153 = vector.broadcast %scan3A_63 : f32 to vector<16xf32>
      %mul3A_154 = arith.mulf %add3A_152, %mul3A_153 : vector<16xf32>
      %mul3A_155 = vector.broadcast %select_n3A_14 : f32 to vector<16xf32>
      %mul3A_156 = arith.mulf %mul3A_154, %mul3A_155 : vector<16xf32>
      %swap3A_157 = arith.constant 33 : index
      %swap3A_158 = tpu.vector_load %arg5[%swap3A_157] {strides = array<i32>} : memref<26624xf32, #tpu.memory_space<vmem>>, vector<16xf32>,
      tpu.vector_store %arg5[%swap3A_157], %mul3A_156 {strides = array<i32>} : memref<26624xf32, #tpu.memory_space<vmem>>, vector<16xf32>,
      %get3A_159 = arith.constant 48 : index
      %get3A_160 = tpu.vector_load %arg6[%get3A_159] {strides = array<i32>} : memref<112xf32, #tpu.memory_space<vmem>>, vector<16xf32>,
      %get3A_161 = arith.constant 49 : index
      %get3A_162 = tpu.vector_load %arg6[%get3A_161] {strides = array<i32>} : memref<112xf32, #tpu.memory_space<vmem>>, vector<16xf32>,
      %add3A_163 = arith.addf %get3A_160, %get3A_162 : vector<16xf32>
      %get3A_164 = arith.constant 50 : index
      %get3A_165 = tpu.vector_load %arg6[%get3A_164] {strides = array<i32>} : memref<112xf32, #tpu.memory_space<vmem>>, vector<16xf32>,
      %add3A_166 = arith.addf %add3A_163, %get3A_165 : vector<16xf32>
      %mul3A_167 = vector.broadcast %scan3A_63 : f32 to vector<16xf32>
      %mul3A_168 = arith.mulf %add3A_166, %mul3A_167 : vector<16xf32>
      %mul3A_169 = vector.broadcast %select_n3A_14 : f32 to vector<16xf32>
      %mul3A_170 = arith.mulf %mul3A_168, %mul3A_169 : vector<16xf32>
      %swap3A_171 = arith.constant 49 : index
      %swap3A_172 = tpu.vector_load %arg5[%swap3A_171] {strides = array<i32>} : memref<26624xf32, #tpu.memory_space<vmem>>, vector<16xf32>,
      tpu.vector_store %arg5[%swap3A_171], %mul3A_170 {strides = array<i32>} : memref<26624xf32, #tpu.memory_space<vmem>>, vector<16xf32>,
      %get3A_173 = arith.constant 64 : index
      %get3A_174 = tpu.vector_load %arg6[%get3A_173] {strides = array<i32>} : memref<112xf32, #tpu.memory_space<vmem>>, vector<16xf32>,
      %get3A_175 = arith.constant 65 : index
      %get3A_176 = tpu.vector_load %arg6[%get3A_175] {strides = array<i32>} : memref<112xf32, #tpu.memory_space<vmem>>, vector<16xf32>,
      %add3A_177 = arith.addf %get3A_174, %get3A_176 : vector<16xf32>
      %get3A_178 = arith.constant 66 : index
      %get3A_179 = tpu.vector_load %arg6[%get3A_178] {strides = array<i32>} : memref<112xf32, #tpu.memory_space<vmem>>, vector<16xf32>,
      %add3A_180 = arith.addf %add3A_177, %get3A_179 : vector<16xf32>
      %mul3A_181 = vector.broadcast %scan3A_63 : f32 to vector<16xf32>
      %mul3A_182 = arith.mulf %add3A_180, %mul3A_181 : vector<16xf32>
      %mul3A_183 = vector.broadcast %select_n3A_14 : f32 to vector<16xf32>
      %mul3A_184 = arith.mulf %mul3A_182, %mul3A_183 : vector<16xf32>
      %swap3A_185 = arith.constant 65 : index
      %swap3A_186 = tpu.vector_load %arg5[%swap3A_185] {strides = array<i32>} : memref<26624xf32, #tpu.memory_space<vmem>>, vector<16xf32>,
      tpu.vector_store %arg5[%swap3A_185], %mul3A_184 {strides = array<i32>} : memref<26624xf32, #tpu.memory_space<vmem>>, vector<16xf32>,
      %get3A_187 = arith.constant 80 : index
      %get3A_188 = tpu.vector_load %arg6[%get3A_187] {strides = array<i32>} : memref<112xf32, #tpu.memory_space<vmem>>, vector<16xf32>,
      %get3A_189 = arith.constant 81 : index
      %get3A_190 = tpu.vector_load %arg6[%get3A_189] {strides = array<i32>} : memref<112xf32, #tpu.memory_space<vmem>>, vector<16xf32>,
      %add3A_191 = arith.addf %get3A_188, %get3A_190 : vector<16xf32>
      %get3A_192 = arith.constant 82 : index
      %get3A_193 = tpu.vector_load %arg6[%get3A_192] {strides = array<i32>} : memref<112xf32, #tpu.memory_space<vmem>>, vector<16xf32>,
      %add3A_194 = arith.addf %add3A_191, %get3A_193 : vector<16xf32>
      %mul3A_195 = vector.broadcast %scan3A_63 : f32 to vector<16xf32>
      %mul3A_196 = arith.mulf %add3A_194, %mul3A_195 : vector<16xf32>
      %mul3A_197 = vector.broadcast %select_n3A_14 : f32 to vector<16xf32>
      %mul3A_198 = arith.mulf %mul3A_196, %mul3A_197 : vector<16xf32>
      %swap3A_199 = arith.constant 81 : index
      %swap3A_200 = tpu.vector_load %arg5[%swap3A_199] {strides = array<i32>} : memref<26624xf32, #tpu.memory_space<vmem>>, vector<16xf32>,
      tpu.vector_store %arg5[%swap3A_199], %mul3A_198 {strides = array<i32>} : memref<26624xf32, #tpu.memory_space<vmem>>, vector<16xf32>,
      %get3A_201 = arith.constant 9120 : index
      %get3A_202 = tpu.vector_load %arg4[%get3A_201] {strides = array<i32>} : memref<18432xf32, #tpu.memory_space<vmem>>, vector<16xf32>,
      %swap3A_203 = arith.constant 0 : index
      %swap3A_204 = tpu.vector_load %arg6[%swap3A_203] {strides = array<i32>} : memref<112xf32, #tpu.memory_space<vmem>>, vector<16xf32>,
      tpu.vector_store %arg6[%swap3A_203], %get3A_202 {strides = array<i32>} : memref<112xf32, #tpu.memory_space<vmem>>, vector<16xf32>,
      %get3A_205 = arith.constant 9136 : index
      %get3A_206 = tpu.vector_load %arg4[%get3A_205] {strides = array<i32>} : memref<18432xf32, #tpu.memory_space<vmem>>, vector<16xf32>,
      %swap3A_207 = arith.constant 16 : index
      %swap3A_208 = tpu.vector_load %arg6[%swap3A_207] {strides = array<i32>} : memref<112xf32, #tpu.memory_space<vmem>>, vector<16xf32>,
      tpu.vector_store %arg6[%swap3A_207], %get3A_206 {strides = array<i32>} : memref<112xf32, #tpu.memory_space<vmem>>, vector<16xf32>,
      %get3A_209 = arith.constant 9152 : index
      %get3A_210 = tpu.vector_load %arg4[%get3A_209] {strides = array<i32>} : memref<18432xf32, #tpu.memory_space<vmem>>, vector<16xf32>,
      %swap3A_211 = arith.constant 32 : index
      %swap3A_212 = tpu.vector_load %arg6[%swap3A_211] {strides = array<i32>} : memref<112xf32, #tpu.memory_space<vmem>>, vector<16xf32>,
      tpu.vector_store %arg6[%swap3A_211], %get3A_210 {strides = array<i32>} : memref<112xf32, #tpu.memory_space<vmem>>, vector<16xf32>,
      %get3A_213 = arith.constant 9168 : index
      %get3A_214 = tpu.vector_load %arg4[%get3A_213] {strides = array<i32>} : memref<18432xf32, #tpu.memory_space<vmem>>, vector<16xf32>,
      %swap3A_215 = arith.constant 48 : index
      %swap3A_216 = tpu.vector_load %arg6[%swap3A_215] {strides = array<i32>} : memref<112xf32, #tpu.memory_space<vmem>>, vector<16xf32>,
      tpu.vector_store %arg6[%swap3A_215], %get3A_214 {strides = array<i32>} : memref<112xf32, #tpu.memory_space<vmem>>, vector<16xf32>,
      %get3A_217 = arith.constant 9184 : index
      %get3A_218 = tpu.vector_load %arg4[%get3A_217] {strides = array<i32>} : memref<18432xf32, #tpu.memory_space<vmem>>, vector<16xf32>,
      %swap3A_219 = arith.constant 64 : index
      %swap3A_220 = tpu.vector_load %arg6[%swap3A_219] {strides = array<i32>} : memref<112xf32, #tpu.memory_space<vmem>>, vector<16xf32>,
      tpu.vector_store %arg6[%swap3A_219], %get3A_218 {strides = array<i32>} : memref<112xf32, #tpu.memory_space<vmem>>, vector<16xf32>,
      %get3A_221 = arith.constant 9200 : index
      %get3A_222 = tpu.vector_load %arg4[%get3A_221] {strides = array<i32>} : memref<18432xf32, #tpu.memory_space<vmem>>, vector<16xf32>,
      %swap3A_223 = arith.constant 80 : index
      %swap3A_224 = tpu.vector_load %arg6[%swap3A_223] {strides = array<i32>} : memref<112xf32, #tpu.memory_space<vmem>>, vector<16xf32>,
      tpu.vector_store %arg6[%swap3A_223], %get3A_222 {strides = array<i32>} : memref<112xf32, #tpu.memory_space<vmem>>, vector<16xf32>,
      %get3A_225 = arith.constant 80 : index
      %get3A_226 = tpu.vector_load %arg6[%get3A_225] {strides = array<i32>} : memref<112xf32, #tpu.memory_space<vmem>>, vector<16xf32>,
      %mul3A_227 = arith.mulf %select_n3A_18, %select_n3A_60 : f32
      %mul3A_228 = vector.broadcast %mul3A_227 : f32 to vector<16xf32>
      %mul3A_229 = arith.mulf %get3A_226, %mul3A_228 : vector<16xf32>
      %swap3A_230 = arith.constant 12498 : index
      %swap3A_231 = tpu.vector_load %arg5[%swap3A_230] {strides = array<i32>} : memref<26624xf32, #tpu.memory_space<vmem>>, vector<16xf32>,
      tpu.vector_store %arg5[%swap3A_230], %mul3A_229 {strides = array<i32>} : memref<26624xf32, #tpu.memory_space<vmem>>, vector<16xf32>,
      %get3A_232 = arith.constant 0 : index
      %get3A_233 = tpu.vector_load %arg6[%get3A_232] {strides = array<i32>} : memref<112xf32, #tpu.memory_space<vmem>>, vector<16xf32>,
      %mul3A_234 = arith.mulf %select_n3A_18, %select_n3A_39 : f32
      %mul3A_235 = vector.broadcast %mul3A_234 : f32 to vector<16xf32>
      %mul3A_236 = arith.mulf %get3A_233, %mul3A_235 : vector<16xf32>
      %swap3A_237 = arith.constant 12416 : index
      %swap3A_238 = tpu.vector_load %arg5[%swap3A_237] {strides = array<i32>} : memref<26624xf32, #tpu.memory_space<vmem>>, vector<16xf32>,
      tpu.vector_store %arg5[%swap3A_237], %mul3A_236 {strides = array<i32>} : memref<26624xf32, #tpu.memory_space<vmem>>, vector<16xf32>,
      %get3A_239 = arith.constant 0 : index
      %get3A_240 = tpu.vector_load %arg6[%get3A_239] {strides = array<i32>} : memref<112xf32, #tpu.memory_space<vmem>>, vector<16xf32>,
      %get3A_241 = arith.constant 1 : index
      %get3A_242 = tpu.vector_load %arg6[%get3A_241] {strides = array<i32>} : memref<112xf32, #tpu.memory_space<vmem>>, vector<16xf32>,
      %add3A_243 = arith.addf %get3A_240, %get3A_242 : vector<16xf32>
      %get3A_244 = arith.constant 2 : index
      %get3A_245 = tpu.vector_load %arg6[%get3A_244] {strides = array<i32>} : memref<112xf32, #tpu.memory_space<vmem>>, vector<16xf32>,
      %add3A_246 = arith.addf %add3A_243, %get3A_245 : vector<16xf32>
      %mul3A_247 = vector.broadcast %scan3A_63 : f32 to vector<16xf32>
      %mul3A_248 = arith.mulf %add3A_246, %mul3A_247 : vector<16xf32>
      %mul3A_249 = vector.broadcast %select_n3A_18 : f32 to vector<16xf32>
      %mul3A_250 = arith.mulf %mul3A_248, %mul3A_249 : vector<16xf32>
      %swap3A_251 = arith.constant 12417 : index
      %swap3A_252 = tpu.vector_load %arg5[%swap3A_251] {strides = array<i32>} : memref<26624xf32, #tpu.memory_space<vmem>>, vector<16xf32>,
      tpu.vector_store %arg5[%swap3A_251], %mul3A_250 {strides = array<i32>} : memref<26624xf32, #tpu.memory_space<vmem>>, vector<16xf32>,
      %get3A_253 = arith.constant 16 : index
      %get3A_254 = tpu.vector_load %arg6[%get3A_253] {strides = array<i32>} : memref<112xf32, #tpu.memory_space<vmem>>, vector<16xf32>,
      %get3A_255 = arith.constant 17 : index
      %get3A_256 = tpu.vector_load %arg6[%get3A_255] {strides = array<i32>} : memref<112xf32, #tpu.memory_space<vmem>>, vector<16xf32>,
      %add3A_257 = arith.addf %get3A_254, %get3A_256 : vector<16xf32>
      %get3A_258 = arith.constant 18 : index
      %get3A_259 = tpu.vector_load %arg6[%get3A_258] {strides = array<i32>} : memref<112xf32, #tpu.memory_space<vmem>>, vector<16xf32>,
      %add3A_260 = arith.addf %add3A_257, %get3A_259 : vector<16xf32>
      %mul3A_261 = vector.broadcast %scan3A_63 : f32 to vector<16xf32>
      %mul3A_262 = arith.mulf %add3A_260, %mul3A_261 : vector<16xf32>
      %mul3A_263 = vector.broadcast %select_n3A_18 : f32 to vector<16xf32>
      %mul3A_264 = arith.mulf %mul3A_262, %mul3A_263 : vector<16xf32>
      %swap3A_265 = arith.constant 12433 : index
      %swap3A_266 = tpu.vector_load %arg5[%swap3A_265] {strides = array<i32>} : memref<26624xf32, #tpu.memory_space<vmem>>, vector<16xf32>,
      tpu.vector_store %arg5[%swap3A_265], %mul3A_264 {strides = array<i32>} : memref<26624xf32, #tpu.memory_space<vmem>>, vector<16xf32>,
      %get3A_267 = arith.constant 32 : index
      %get3A_268 = tpu.vector_load %arg6[%get3A_267] {strides = array<i32>} : memref<112xf32, #tpu.memory_space<vmem>>, vector<16xf32>,
      %get3A_269 = arith.constant 33 : index
      %get3A_270 = tpu.vector_load %arg6[%get3A_269] {strides = array<i32>} : memref<112xf32, #tpu.memory_space<vmem>>, vector<16xf32>,
      %add3A_271 = arith.addf %get3A_268, %get3A_270 : vector<16xf32>
      %get3A_272 = arith.constant 34 : index
      %get3A_273 = tpu.vector_load %arg6[%get3A_272] {strides = array<i32>} : memref<112xf32, #tpu.memory_space<vmem>>, vector<16xf32>,
      %add3A_274 = arith.addf %add3A_271, %get3A_273 : vector<16xf32>
      %mul3A_275 = vector.broadcast %scan3A_63 : f32 to vector<16xf32>
      %mul3A_276 = arith.mulf %add3A_274, %mul3A_275 : vector<16xf32>
      %mul3A_277 = vector.broadcast %select_n3A_18 : f32 to vector<16xf32>
      %mul3A_278 = arith.mulf %mul3A_276, %mul3A_277 : vector<16xf32>
      %swap3A_279 = arith.constant 12449 : index
      %swap3A_280 = tpu.vector_load %arg5[%swap3A_279] {strides = array<i32>} : memref<26624xf32, #tpu.memory_space<vmem>>, vector<16xf32>,
      tpu.vector_store %arg5[%swap3A_279], %mul3A_278 {strides = array<i32>} : memref<26624xf32, #tpu.memory_space<vmem>>, vector<16xf32>,
      %get3A_281 = arith.constant 48 : index
      %get3A_282 = tpu.vector_load %arg6[%get3A_281] {strides = array<i32>} : memref<112xf32, #tpu.memory_space<vmem>>, vector<16xf32>,
      %get3A_283 = arith.constant 49 : index
      %get3A_284 = tpu.vector_load %arg6[%get3A_283] {strides = array<i32>} : memref<112xf32, #tpu.memory_space<vmem>>, vector<16xf32>,
      %add3A_285 = arith.addf %get3A_282, %get3A_284 : vector<16xf32>
      %get3A_286 = arith.constant 50 : index
      %get3A_287 = tpu.vector_load %arg6[%get3A_286] {strides = array<i32>} : memref<112xf32, #tpu.memory_space<vmem>>, vector<16xf32>,
      %add3A_288 = arith.addf %add3A_285, %get3A_287 : vector<16xf32>
      %mul3A_289 = vector.broadcast %scan3A_63 : f32 to vector<16xf32>
      %mul3A_290 = arith.mulf %add3A_288, %mul3A_289 : vector<16xf32>
      %mul3A_291 = vector.broadcast %select_n3A_18 : f32 to vector<16xf32>
      %mul3A_292 = arith.mulf %mul3A_290, %mul3A_291 : vector<16xf32>
      %swap3A_293 = arith.constant 12465 : index
      %swap3A_294 = tpu.vector_load %arg5[%swap3A_293] {strides = array<i32>} : memref<26624xf32, #tpu.memory_space<vmem>>, vector<16xf32>,
      tpu.vector_store %arg5[%swap3A_293], %mul3A_292 {strides = array<i32>} : memref<26624xf32, #tpu.memory_space<vmem>>, vector<16xf32>,
      %get3A_295 = arith.constant 64 : index
      %get3A_296 = tpu.vector_load %arg6[%get3A_295] {strides = array<i32>} : memref<112xf32, #tpu.memory_space<vmem>>, vector<16xf32>,
      %get3A_297 = arith.constant 65 : index
      %get3A_298 = tpu.vector_load %arg6[%get3A_297] {strides = array<i32>} : memref<112xf32, #tpu.memory_space<vmem>>, vector<16xf32>,
      %add3A_299 = arith.addf %get3A_296, %get3A_298 : vector<16xf32>
      %get3A_300 = arith.constant 66 : index
      %get3A_301 = tpu.vector_load %arg6[%get3A_300] {strides = array<i32>} : memref<112xf32, #tpu.memory_space<vmem>>, vector<16xf32>,
      %add3A_302 = arith.addf %add3A_299, %get3A_301 : vector<16xf32>
      %mul3A_303 = vector.broadcast %scan3A_63 : f32 to vector<16xf32>
      %mul3A_304 = arith.mulf %add3A_302, %mul3A_303 : vector<16xf32>
      %mul3A_305 = vector.broadcast %select_n3A_18 : f32 to vector<16xf32>
      %mul3A_306 = arith.mulf %mul3A_304, %mul3A_305 : vector<16xf32>
      %swap3A_307 = arith.constant 12481 : index
      %swap3A_308 = tpu.vector_load %arg5[%swap3A_307] {strides = array<i32>} : memref<26624xf32, #tpu.memory_space<vmem>>, vector<16xf32>,
      tpu.vector_store %arg5[%swap3A_307], %mul3A_306 {strides = array<i32>} : memref<26624xf32, #tpu.memory_space<vmem>>, vector<16xf32>,
      %get3A_309 = arith.constant 80 : index
      %get3A_310 = tpu.vector_load %arg6[%get3A_309] {strides = array<i32>} : memref<112xf32, #tpu.memory_space<vmem>>, vector<16xf32>,
      %get3A_311 = arith.constant 81 : index
      %get3A_312 = tpu.vector_load %arg6[%get3A_311] {strides = array<i32>} : memref<112xf32, #tpu.memory_space<vmem>>, vector<16xf32>,
      %add3A_313 = arith.addf %get3A_310, %get3A_312 : vector<16xf32>
      %get3A_314 = arith.constant 82 : index
      %get3A_315 = tpu.vector_load %arg6[%get3A_314] {strides = array<i32>} : memref<112xf32, #tpu.memory_space<vmem>>, vector<16xf32>,
      %add3A_316 = arith.addf %add3A_313, %get3A_315 : vector<16xf32>
      %mul3A_317 = vector.broadcast %scan3A_63 : f32 to vector<16xf32>
      %mul3A_318 = arith.mulf %add3A_316, %mul3A_317 : vector<16xf32>
      %mul3A_319 = vector.broadcast %select_n3A_18 : f32 to vector<16xf32>
      %mul3A_320 = arith.mulf %mul3A_318, %mul3A_319 : vector<16xf32>
      %swap3A_321 = arith.constant 12497 : index
      %swap3A_322 = tpu.vector_load %arg5[%swap3A_321] {strides = array<i32>} : memref<26624xf32, #tpu.memory_space<vmem>>, vector<16xf32>,
      tpu.vector_store %arg5[%swap3A_321], %mul3A_320 {strides = array<i32>} : memref<26624xf32, #tpu.memory_space<vmem>>, vector<16xf32>,
      %scan3A_323 = arith.constant 0 : i32
      %scan3A_324 = arith.constant 0 : i32
      %scan3A_325 = arith.constant 96 : i32
      %scan3A_326 = arith.addi %scan3A_324, %scan3A_325 : i32
      %scan3A_327 = arith.constant 4 : i32
      scf.for %scan3A_579 = %scan3A_324 to %scan3A_326 step %scan3A_327  : i32 {
        %mul3A_580 = arith.constant 96 : i32
        %mul3A_581 = arith.muli %scan3A_579, %mul3A_580 : i32
        %add3A_582 = arith.constant 0 : i32
        %add3A_583 = arith.addi %add3A_582, %mul3A_581 : i32
        %add3A_584 = arith.constant 1 : i32
        %add3A_585 = arith.addi %scan3A_579, %add3A_584 : i32
        %mul3A_586 = arith.constant 128 : i32
        %mul3A_587 = arith.muli %add3A_585, %mul3A_586 : i32
        %add3A_588 = arith.constant 0 : i32
        %add3A_589 = arith.addi %add3A_588, %mul3A_587 : i32
        %add3A_590 = arith.constant 96 : i32
        %add3A_591 = arith.addi %add3A_583, %add3A_590 : i32
        %sub3A = arith.constant 18 : i32
        %sub3A_592 = arith.subi %add3A_591, %sub3A : i32
        %get3A_593 = arith.index_cast %sub3A_592 : i32 to index
        %get3A_594 = tpu.vector_load %arg4[%get3A_593] {strides = array<i32>} : memref<18432xf32, #tpu.memory_space<vmem>>, vector<16xf32>,
        %add3A_595 = arith.constant 96 : i32
        %add3A_596 = arith.addi %add3A_583, %add3A_595 : i32
        %sub3A_597 = arith.constant 17 : i32
        %sub3A_598 = arith.subi %add3A_596, %sub3A_597 : i32
        %get3A_599 = arith.index_cast %sub3A_598 : i32 to index
        %get3A_600 = tpu.vector_load %arg4[%get3A_599] {strides = array<i32>} : memref<18432xf32, #tpu.memory_space<vmem>>, vector<16xf32>,
        %add3A_601 = arith.constant 96 : i32
        %add3A_602 = arith.addi %add3A_583, %add3A_601 : i32
        %sub3A_603 = arith.constant 16 : i32
        %sub3A_604 = arith.subi %add3A_602, %sub3A_603 : i32
        %get3A_605 = arith.index_cast %sub3A_604 : i32 to index
        %get3A_606 = tpu.vector_load %arg4[%get3A_605] {strides = array<i32>} : memref<18432xf32, #tpu.memory_space<vmem>>, vector<16xf32>,
        %add3A_607 = arith.addf %get3A_594, %get3A_600 : vector<16xf32>
        %add3A_608 = arith.addf %add3A_607, %get3A_606 : vector<16xf32>
        %mul3A_609 = vector.broadcast %scan3A_63 : f32 to vector<16xf32>
        %mul3A_610 = arith.mulf %add3A_608, %mul3A_609 : vector<16xf32>
        %mul3A_611 = vector.broadcast %select_n3A_60 : f32 to vector<16xf32>
        %mul3A_612 = arith.mulf %mul3A_610, %mul3A_611 : vector<16xf32>
        %add3A_613 = arith.constant 82 : i32
        %add3A_614 = arith.addi %add3A_589, %add3A_613 : i32
        %swap3A_615 = arith.index_cast %add3A_614 : i32 to index
        %swap3A_616 = tpu.vector_load %arg5[%swap3A_615] {strides = array<i32>} : memref<26624xf32, #tpu.memory_space<vmem>>, vector<16xf32>,
        tpu.vector_store %arg5[%swap3A_615], %mul3A_612 {strides = array<i32>} : memref<26624xf32, #tpu.memory_space<vmem>>, vector<16xf32>,
        %get3A_617 = arith.index_cast %add3A_583 : i32 to index
        %get3A_618 = tpu.vector_load %arg4[%get3A_617] {strides = array<i32>} : memref<18432xf32, #tpu.memory_space<vmem>>, vector<16xf32>,
        %add3A_619 = arith.constant 1 : i32
        %add3A_620 = arith.addi %add3A_583, %add3A_619 : i32
        %get3A_621 = arith.index_cast %add3A_620 : i32 to index
        %get3A_622 = tpu.vector_load %arg4[%get3A_621] {strides = array<i32>} : memref<18432xf32, #tpu.memory_space<vmem>>, vector<16xf32>,
        %add3A_623 = arith.constant 2 : i32
        %add3A_624 = arith.addi %add3A_583, %add3A_623 : i32
        %get3A_625 = arith.index_cast %add3A_624 : i32 to index
        %get3A_626 = tpu.vector_load %arg4[%get3A_625] {strides = array<i32>} : memref<18432xf32, #tpu.memory_space<vmem>>, vector<16xf32>,
        %add3A_627 = arith.addf %get3A_618, %get3A_622 : vector<16xf32>
        %add3A_628 = arith.addf %add3A_627, %get3A_626 : vector<16xf32>
        %mul3A_629 = vector.broadcast %scan3A_63 : f32 to vector<16xf32>
        %mul3A_630 = arith.mulf %add3A_628, %mul3A_629 : vector<16xf32>
        %mul3A_631 = vector.broadcast %select_n3A_39 : f32 to vector<16xf32>
        %mul3A_632 = arith.mulf %mul3A_630, %mul3A_631 : vector<16xf32>
        %swap3A_633 = arith.index_cast %add3A_589 : i32 to index
        %swap3A_634 = tpu.vector_load %arg5[%swap3A_633] {strides = array<i32>} : memref<26624xf32, #tpu.memory_space<vmem>>, vector<16xf32>,
        tpu.vector_store %arg5[%swap3A_633], %mul3A_632 {strides = array<i32>} : memref<26624xf32, #tpu.memory_space<vmem>>, vector<16xf32>,
        %add3A_635 = arith.constant 1 : i32
        %add3A_636 = arith.addi %add3A_589, %add3A_635 : i32
        %swap3A_637 = arith.index_cast %add3A_636 : i32 to index
        %swap3A_638 = tpu.vector_load %arg5[%swap3A_637] {strides = array<i32>} : memref<26624xf32, #tpu.memory_space<vmem>>, vector<16xf32>,
        tpu.vector_store %arg5[%swap3A_637], %get3A_618 {strides = array<i32>} : memref<26624xf32, #tpu.memory_space<vmem>>, vector<16xf32>,
        %add3A_639 = arith.constant 16 : i32
        %add3A_640 = arith.addi %add3A_583, %add3A_639 : i32
        %get3A_641 = arith.index_cast %add3A_640 : i32 to index
        %get3A_642 = tpu.vector_load %arg4[%get3A_641] {strides = array<i32>} : memref<18432xf32, #tpu.memory_space<vmem>>, vector<16xf32>,
        %add3A_643 = arith.constant 1 : i32
        %add3A_644 = arith.addi %add3A_589, %add3A_643 : i32
        %add3A_645 = arith.constant 16 : i32
        %add3A_646 = arith.addi %add3A_644, %add3A_645 : i32
        %swap3A_647 = arith.index_cast %add3A_646 : i32 to index
        %swap3A_648 = tpu.vector_load %arg5[%swap3A_647] {strides = array<i32>} : memref<26624xf32, #tpu.memory_space<vmem>>, vector<16xf32>,
        tpu.vector_store %arg5[%swap3A_647], %get3A_642 {strides = array<i32>} : memref<26624xf32, #tpu.memory_space<vmem>>, vector<16xf32>,
        %add3A_649 = arith.constant 32 : i32
        %add3A_650 = arith.addi %add3A_583, %add3A_649 : i32
        %get3A_651 = arith.index_cast %add3A_650 : i32 to index
        %get3A_652 = tpu.vector_load %arg4[%get3A_651] {strides = array<i32>} : memref<18432xf32, #tpu.memory_space<vmem>>, vector<16xf32>,
        %add3A_653 = arith.constant 1 : i32
        %add3A_654 = arith.addi %add3A_589, %add3A_653 : i32
        %add3A_655 = arith.constant 32 : i32
        %add3A_656 = arith.addi %add3A_654, %add3A_655 : i32
        %swap3A_657 = arith.index_cast %add3A_656 : i32 to index
        %swap3A_658 = tpu.vector_load %arg5[%swap3A_657] {strides = array<i32>} : memref<26624xf32, #tpu.memory_space<vmem>>, vector<16xf32>,
        tpu.vector_store %arg5[%swap3A_657], %get3A_652 {strides = array<i32>} : memref<26624xf32, #tpu.memory_space<vmem>>, vector<16xf32>,
        %add3A_659 = arith.constant 48 : i32
        %add3A_660 = arith.addi %add3A_583, %add3A_659 : i32
        %get3A_661 = arith.index_cast %add3A_660 : i32 to index
        %get3A_662 = tpu.vector_load %arg4[%get3A_661] {strides = array<i32>} : memref<18432xf32, #tpu.memory_space<vmem>>, vector<16xf32>,
        %add3A_663 = arith.constant 1 : i32
        %add3A_664 = arith.addi %add3A_589, %add3A_663 : i32
        %add3A_665 = arith.constant 48 : i32
        %add3A_666 = arith.addi %add3A_664, %add3A_665 : i32
        %swap3A_667 = arith.index_cast %add3A_666 : i32 to index
        %swap3A_668 = tpu.vector_load %arg5[%swap3A_667] {strides = array<i32>} : memref<26624xf32, #tpu.memory_space<vmem>>, vector<16xf32>,
        tpu.vector_store %arg5[%swap3A_667], %get3A_662 {strides = array<i32>} : memref<26624xf32, #tpu.memory_space<vmem>>, vector<16xf32>,
        %add3A_669 = arith.constant 64 : i32
        %add3A_670 = arith.addi %add3A_583, %add3A_669 : i32
        %get3A_671 = arith.index_cast %add3A_670 : i32 to index
        %get3A_672 = tpu.vector_load %arg4[%get3A_671] {strides = array<i32>} : memref<18432xf32, #tpu.memory_space<vmem>>, vector<16xf32>,
        %add3A_673 = arith.constant 1 : i32
        %add3A_674 = arith.addi %add3A_589, %add3A_673 : i32
        %add3A_675 = arith.constant 64 : i32
        %add3A_676 = arith.addi %add3A_674, %add3A_675 : i32
        %swap3A_677 = arith.index_cast %add3A_676 : i32 to index
        %swap3A_678 = tpu.vector_load %arg5[%swap3A_677] {strides = array<i32>} : memref<26624xf32, #tpu.memory_space<vmem>>, vector<16xf32>,
        tpu.vector_store %arg5[%swap3A_677], %get3A_672 {strides = array<i32>} : memref<26624xf32, #tpu.memory_space<vmem>>, vector<16xf32>,
        %add3A_679 = arith.constant 80 : i32
        %add3A_680 = arith.addi %add3A_583, %add3A_679 : i32
        %get3A_681 = arith.index_cast %add3A_680 : i32 to index
        %get3A_682 = tpu.vector_load %arg4[%get3A_681] {strides = array<i32>} : memref<18432xf32, #tpu.memory_space<vmem>>, vector<16xf32>,
        %add3A_683 = arith.constant 1 : i32
        %add3A_684 = arith.addi %add3A_589, %add3A_683 : i32
        %add3A_685 = arith.constant 80 : i32
        %add3A_686 = arith.addi %add3A_684, %add3A_685 : i32
        %swap3A_687 = arith.index_cast %add3A_686 : i32 to index
        %swap3A_688 = tpu.vector_load %arg5[%swap3A_687] {strides = array<i32>} : memref<26624xf32, #tpu.memory_space<vmem>>, vector<16xf32>,
        tpu.vector_store %arg5[%swap3A_687], %get3A_682 {strides = array<i32>} : memref<26624xf32, #tpu.memory_space<vmem>>, vector<16xf32>,
        %scan3A_689 = arith.constant 1 : i32
        %scan3A_690 = arith.addi %scan3A_579, %scan3A_689 : i32
        %mul3A_691 = arith.constant 96 : i32
        %mul3A_692 = arith.muli %scan3A_690, %mul3A_691 : i32
        %add3A_693 = arith.constant 0 : i32
        %add3A_694 = arith.addi %add3A_693, %mul3A_692 : i32
        %add3A_695 = arith.constant 1 : i32
        %add3A_696 = arith.addi %scan3A_690, %add3A_695 : i32
        %mul3A_697 = arith.constant 128 : i32
        %mul3A_698 = arith.muli %add3A_696, %mul3A_697 : i32
        %add3A_699 = arith.constant 0 : i32
        %add3A_700 = arith.addi %add3A_699, %mul3A_698 : i32
        %add3A_701 = arith.constant 96 : i32
        %add3A_702 = arith.addi %add3A_694, %add3A_701 : i32
        %sub3A_703 = arith.constant 18 : i32
        %sub3A_704 = arith.subi %add3A_702, %sub3A_703 : i32
        %get3A_705 = arith.index_cast %sub3A_704 : i32 to index
        %get3A_706 = tpu.vector_load %arg4[%get3A_705] {strides = array<i32>} : memref<18432xf32, #tpu.memory_space<vmem>>, vector<16xf32>,
        %add3A_707 = arith.constant 96 : i32
        %add3A_708 = arith.addi %add3A_694, %add3A_707 : i32
        %sub3A_709 = arith.constant 17 : i32
        %sub3A_710 = arith.subi %add3A_708, %sub3A_709 : i32
        %get3A_711 = arith.index_cast %sub3A_710 : i32 to index
        %get3A_712 = tpu.vector_load %arg4[%get3A_711] {strides = array<i32>} : memref<18432xf32, #tpu.memory_space<vmem>>, vector<16xf32>,
        %add3A_713 = arith.constant 96 : i32
        %add3A_714 = arith.addi %add3A_694, %add3A_713 : i32
        %sub3A_715 = arith.constant 16 : i32
        %sub3A_716 = arith.subi %add3A_714, %sub3A_715 : i32
        %get3A_717 = arith.index_cast %sub3A_716 : i32 to index
        %get3A_718 = tpu.vector_load %arg4[%get3A_717] {strides = array<i32>} : memref<18432xf32, #tpu.memory_space<vmem>>, vector<16xf32>,
        %add3A_719 = arith.addf %get3A_706, %get3A_712 : vector<16xf32>
        %add3A_720 = arith.addf %add3A_719, %get3A_718 : vector<16xf32>
        %mul3A_721 = vector.broadcast %scan3A_63 : f32 to vector<16xf32>
        %mul3A_722 = arith.mulf %add3A_720, %mul3A_721 : vector<16xf32>
        %mul3A_723 = vector.broadcast %select_n3A_60 : f32 to vector<16xf32>
        %mul3A_724 = arith.mulf %mul3A_722, %mul3A_723 : vector<16xf32>
        %add3A_725 = arith.constant 82 : i32
        %add3A_726 = arith.addi %add3A_700, %add3A_725 : i32
        %swap3A_727 = arith.index_cast %add3A_726 : i32 to index
        %swap3A_728 = tpu.vector_load %arg5[%swap3A_727] {strides = array<i32>} : memref<26624xf32, #tpu.memory_space<vmem>>, vector<16xf32>,
        tpu.vector_store %arg5[%swap3A_727], %mul3A_724 {strides = array<i32>} : memref<26624xf32, #tpu.memory_space<vmem>>, vector<16xf32>,
        %get3A_729 = arith.index_cast %add3A_694 : i32 to index
        %get3A_730 = tpu.vector_load %arg4[%get3A_729] {strides = array<i32>} : memref<18432xf32, #tpu.memory_space<vmem>>, vector<16xf32>,
        %add3A_731 = arith.constant 1 : i32
        %add3A_732 = arith.addi %add3A_694, %add3A_731 : i32
        %get3A_733 = arith.index_cast %add3A_732 : i32 to index
        %get3A_734 = tpu.vector_load %arg4[%get3A_733] {strides = array<i32>} : memref<18432xf32, #tpu.memory_space<vmem>>, vector<16xf32>,
        %add3A_735 = arith.constant 2 : i32
        %add3A_736 = arith.addi %add3A_694, %add3A_735 : i32
        %get3A_737 = arith.index_cast %add3A_736 : i32 to index
        %get3A_738 = tpu.vector_load %arg4[%get3A_737] {strides = array<i32>} : memref<18432xf32, #tpu.memory_space<vmem>>, vector<16xf32>,
        %add3A_739 = arith.addf %get3A_730, %get3A_734 : vector<16xf32>
        %add3A_740 = arith.addf %add3A_739, %get3A_738 : vector<16xf32>
        %mul3A_741 = vector.broadcast %scan3A_63 : f32 to vector<16xf32>
        %mul3A_742 = arith.mulf %add3A_740, %mul3A_741 : vector<16xf32>
        %mul3A_743 = vector.broadcast %select_n3A_39 : f32 to vector<16xf32>
        %mul3A_744 = arith.mulf %mul3A_742, %mul3A_743 : vector<16xf32>
        %swap3A_745 = arith.index_cast %add3A_700 : i32 to index
        %swap3A_746 = tpu.vector_load %arg5[%swap3A_745] {strides = array<i32>} : memref<26624xf32, #tpu.memory_space<vmem>>, vector<16xf32>,
        tpu.vector_store %arg5[%swap3A_745], %mul3A_744 {strides = array<i32>} : memref<26624xf32, #tpu.memory_space<vmem>>, vector<16xf32>,
        %add3A_747 = arith.constant 1 : i32
        %add3A_748 = arith.addi %add3A_700, %add3A_747 : i32
        %swap3A_749 = arith.index_cast %add3A_748 : i32 to index
        %swap3A_750 = tpu.vector_load %arg5[%swap3A_749] {strides = array<i32>} : memref<26624xf32, #tpu.memory_space<vmem>>, vector<16xf32>,
        tpu.vector_store %arg5[%swap3A_749], %get3A_730 {strides = array<i32>} : memref<26624xf32, #tpu.memory_space<vmem>>, vector<16xf32>,
        %add3A_751 = arith.constant 16 : i32
        %add3A_752 = arith.addi %add3A_694, %add3A_751 : i32
        %get3A_753 = arith.index_cast %add3A_752 : i32 to index
        %get3A_754 = tpu.vector_load %arg4[%get3A_753] {strides = array<i32>} : memref<18432xf32, #tpu.memory_space<vmem>>, vector<16xf32>,
        %add3A_755 = arith.constant 1 : i32
        %add3A_756 = arith.addi %add3A_700, %add3A_755 : i32
        %add3A_757 = arith.constant 16 : i32
        %add3A_758 = arith.addi %add3A_756, %add3A_757 : i32
        %swap3A_759 = arith.index_cast %add3A_758 : i32 to index
        %swap3A_760 = tpu.vector_load %arg5[%swap3A_759] {strides = array<i32>} : memref<26624xf32, #tpu.memory_space<vmem>>, vector<16xf32>,
        tpu.vector_store %arg5[%swap3A_759], %get3A_754 {strides = array<i32>} : memref<26624xf32, #tpu.memory_space<vmem>>, vector<16xf32>,
        %add3A_761 = arith.constant 32 : i32
        %add3A_762 = arith.addi %add3A_694, %add3A_761 : i32
        %get3A_763 = arith.index_cast %add3A_762 : i32 to index
        %get3A_764 = tpu.vector_load %arg4[%get3A_763] {strides = array<i32>} : memref<18432xf32, #tpu.memory_space<vmem>>, vector<16xf32>,
        %add3A_765 = arith.constant 1 : i32
        %add3A_766 = arith.addi %add3A_700, %add3A_765 : i32
        %add3A_767 = arith.constant 32 : i32
        %add3A_768 = arith.addi %add3A_766, %add3A_767 : i32
        %swap3A_769 = arith.index_cast %add3A_768 : i32 to index
        %swap3A_770 = tpu.vector_load %arg5[%swap3A_769] {strides = array<i32>} : memref<26624xf32, #tpu.memory_space<vmem>>, vector<16xf32>,
        tpu.vector_store %arg5[%swap3A_769], %get3A_764 {strides = array<i32>} : memref<26624xf32, #tpu.memory_space<vmem>>, vector<16xf32>,
        %add3A_771 = arith.constant 48 : i32
        %add3A_772 = arith.addi %add3A_694, %add3A_771 : i32
        %get3A_773 = arith.index_cast %add3A_772 : i32 to index
        %get3A_774 = tpu.vector_load %arg4[%get3A_773] {strides = array<i32>} : memref<18432xf32, #tpu.memory_space<vmem>>, vector<16xf32>,
        %add3A_775 = arith.constant 1 : i32
        %add3A_776 = arith.addi %add3A_700, %add3A_775 : i32
        %add3A_777 = arith.constant 48 : i32
        %add3A_778 = arith.addi %add3A_776, %add3A_777 : i32
        %swap3A_779 = arith.index_cast %add3A_778 : i32 to index
        %swap3A_780 = tpu.vector_load %arg5[%swap3A_779] {strides = array<i32>} : memref<26624xf32, #tpu.memory_space<vmem>>, vector<16xf32>,
        tpu.vector_store %arg5[%swap3A_779], %get3A_774 {strides = array<i32>} : memref<26624xf32, #tpu.memory_space<vmem>>, vector<16xf32>,
        %add3A_781 = arith.constant 64 : i32
        %add3A_782 = arith.addi %add3A_694, %add3A_781 : i32
        %get3A_783 = arith.index_cast %add3A_782 : i32 to index
        %get3A_784 = tpu.vector_load %arg4[%get3A_783] {strides = array<i32>} : memref<18432xf32, #tpu.memory_space<vmem>>, vector<16xf32>,
        %add3A_785 = arith.constant 1 : i32
        %add3A_786 = arith.addi %add3A_700, %add3A_785 : i32
        %add3A_787 = arith.constant 64 : i32
        %add3A_788 = arith.addi %add3A_786, %add3A_787 : i32
        %swap3A_789 = arith.index_cast %add3A_788 : i32 to index
        %swap3A_790 = tpu.vector_load %arg5[%swap3A_789] {strides = array<i32>} : memref<26624xf32, #tpu.memory_space<vmem>>, vector<16xf32>,
        tpu.vector_store %arg5[%swap3A_789], %get3A_784 {strides = array<i32>} : memref<26624xf32, #tpu.memory_space<vmem>>, vector<16xf32>,
        %add3A_791 = arith.constant 80 : i32
        %add3A_792 = arith.addi %add3A_694, %add3A_791 : i32
        %get3A_793 = arith.index_cast %add3A_792 : i32 to index
        %get3A_794 = tpu.vector_load %arg4[%get3A_793] {strides = array<i32>} : memref<18432xf32, #tpu.memory_space<vmem>>, vector<16xf32>,
        %add3A_795 = arith.constant 1 : i32
        %add3A_796 = arith.addi %add3A_700, %add3A_795 : i32
        %add3A_797 = arith.constant 80 : i32
        %add3A_798 = arith.addi %add3A_796, %add3A_797 : i32
        %swap3A_799 = arith.index_cast %add3A_798 : i32 to index
        %swap3A_800 = tpu.vector_load %arg5[%swap3A_799] {strides = array<i32>} : memref<26624xf32, #tpu.memory_space<vmem>>, vector<16xf32>,
        tpu.vector_store %arg5[%swap3A_799], %get3A_794 {strides = array<i32>} : memref<26624xf32, #tpu.memory_space<vmem>>, vector<16xf32>,
        %scan3A_801 = arith.constant 2 : i32
        %scan3A_802 = arith.addi %scan3A_579, %scan3A_801 : i32
        %mul3A_803 = arith.constant 96 : i32
        %mul3A_804 = arith.muli %scan3A_802, %mul3A_803 : i32
        %add3A_805 = arith.constant 0 : i32
        %add3A_806 = arith.addi %add3A_805, %mul3A_804 : i32
        %add3A_807 = arith.constant 1 : i32
        %add3A_808 = arith.addi %scan3A_802, %add3A_807 : i32
        %mul3A_809 = arith.constant 128 : i32
        %mul3A_810 = arith.muli %add3A_808, %mul3A_809 : i32
        %add3A_811 = arith.constant 0 : i32
        %add3A_812 = arith.addi %add3A_811, %mul3A_810 : i32
        %add3A_813 = arith.constant 96 : i32
        %add3A_814 = arith.addi %add3A_806, %add3A_813 : i32
        %sub3A_815 = arith.constant 18 : i32
        %sub3A_816 = arith.subi %add3A_814, %sub3A_815 : i32
        %get3A_817 = arith.index_cast %sub3A_816 : i32 to index
        %get3A_818 = tpu.vector_load %arg4[%get3A_817] {strides = array<i32>} : memref<18432xf32, #tpu.memory_space<vmem>>, vector<16xf32>,
        %add3A_819 = arith.constant 96 : i32
        %add3A_820 = arith.addi %add3A_806, %add3A_819 : i32
        %sub3A_821 = arith.constant 17 : i32
        %sub3A_822 = arith.subi %add3A_820, %sub3A_821 : i32
        %get3A_823 = arith.index_cast %sub3A_822 : i32 to index
        %get3A_824 = tpu.vector_load %arg4[%get3A_823] {strides = array<i32>} : memref<18432xf32, #tpu.memory_space<vmem>>, vector<16xf32>,
        %add3A_825 = arith.constant 96 : i32
        %add3A_826 = arith.addi %add3A_806, %add3A_825 : i32
        %sub3A_827 = arith.constant 16 : i32
        %sub3A_828 = arith.subi %add3A_826, %sub3A_827 : i32
        %get3A_829 = arith.index_cast %sub3A_828 : i32 to index
        %get3A_830 = tpu.vector_load %arg4[%get3A_829] {strides = array<i32>} : memref<18432xf32, #tpu.memory_space<vmem>>, vector<16xf32>,
        %add3A_831 = arith.addf %get3A_818, %get3A_824 : vector<16xf32>
        %add3A_832 = arith.addf %add3A_831, %get3A_830 : vector<16xf32>
        %mul3A_833 = vector.broadcast %scan3A_63 : f32 to vector<16xf32>
        %mul3A_834 = arith.mulf %add3A_832, %mul3A_833 : vector<16xf32>
        %mul3A_835 = vector.broadcast %select_n3A_60 : f32 to vector<16xf32>
        %mul3A_836 = arith.mulf %mul3A_834, %mul3A_835 : vector<16xf32>
        %add3A_837 = arith.constant 82 : i32
        %add3A_838 = arith.addi %add3A_812, %add3A_837 : i32
        %swap3A_839 = arith.index_cast %add3A_838 : i32 to index
        %swap3A_840 = tpu.vector_load %arg5[%swap3A_839] {strides = array<i32>} : memref<26624xf32, #tpu.memory_space<vmem>>, vector<16xf32>,
        tpu.vector_store %arg5[%swap3A_839], %mul3A_836 {strides = array<i32>} : memref<26624xf32, #tpu.memory_space<vmem>>, vector<16xf32>,
        %get3A_841 = arith.index_cast %add3A_806 : i32 to index
        %get3A_842 = tpu.vector_load %arg4[%get3A_841] {strides = array<i32>} : memref<18432xf32, #tpu.memory_space<vmem>>, vector<16xf32>,
        %add3A_843 = arith.constant 1 : i32
        %add3A_844 = arith.addi %add3A_806, %add3A_843 : i32
        %get3A_845 = arith.index_cast %add3A_844 : i32 to index
        %get3A_846 = tpu.vector_load %arg4[%get3A_845] {strides = array<i32>} : memref<18432xf32, #tpu.memory_space<vmem>>, vector<16xf32>,
        %add3A_847 = arith.constant 2 : i32
        %add3A_848 = arith.addi %add3A_806, %add3A_847 : i32
        %get3A_849 = arith.index_cast %add3A_848 : i32 to index
        %get3A_850 = tpu.vector_load %arg4[%get3A_849] {strides = array<i32>} : memref<18432xf32, #tpu.memory_space<vmem>>, vector<16xf32>,
        %add3A_851 = arith.addf %get3A_842, %get3A_846 : vector<16xf32>
        %add3A_852 = arith.addf %add3A_851, %get3A_850 : vector<16xf32>
        %mul3A_853 = vector.broadcast %scan3A_63 : f32 to vector<16xf32>
        %mul3A_854 = arith.mulf %add3A_852, %mul3A_853 : vector<16xf32>
        %mul3A_855 = vector.broadcast %select_n3A_39 : f32 to vector<16xf32>
        %mul3A_856 = arith.mulf %mul3A_854, %mul3A_855 : vector<16xf32>
        %swap3A_857 = arith.index_cast %add3A_812 : i32 to index
        %swap3A_858 = tpu.vector_load %arg5[%swap3A_857] {strides = array<i32>} : memref<26624xf32, #tpu.memory_space<vmem>>, vector<16xf32>,
        tpu.vector_store %arg5[%swap3A_857], %mul3A_856 {strides = array<i32>} : memref<26624xf32, #tpu.memory_space<vmem>>, vector<16xf32>,
        %add3A_859 = arith.constant 1 : i32
        %add3A_860 = arith.addi %add3A_812, %add3A_859 : i32
        %swap3A_861 = arith.index_cast %add3A_860 : i32 to index
        %swap3A_862 = tpu.vector_load %arg5[%swap3A_861] {strides = array<i32>} : memref<26624xf32, #tpu.memory_space<vmem>>, vector<16xf32>,
        tpu.vector_store %arg5[%swap3A_861], %get3A_842 {strides = array<i32>} : memref<26624xf32, #tpu.memory_space<vmem>>, vector<16xf32>,
        %add3A_863 = arith.constant 16 : i32
        %add3A_864 = arith.addi %add3A_806, %add3A_863 : i32
        %get3A_865 = arith.index_cast %add3A_864 : i32 to index
        %get3A_866 = tpu.vector_load %arg4[%get3A_865] {strides = array<i32>} : memref<18432xf32, #tpu.memory_space<vmem>>, vector<16xf32>,
        %add3A_867 = arith.constant 1 : i32
        %add3A_868 = arith.addi %add3A_812, %add3A_867 : i32
        %add3A_869 = arith.constant 16 : i32
        %add3A_870 = arith.addi %add3A_868, %add3A_869 : i32
        %swap3A_871 = arith.index_cast %add3A_870 : i32 to index
        %swap3A_872 = tpu.vector_load %arg5[%swap3A_871] {strides = array<i32>} : memref<26624xf32, #tpu.memory_space<vmem>>, vector<16xf32>,
        tpu.vector_store %arg5[%swap3A_871], %get3A_866 {strides = array<i32>} : memref<26624xf32, #tpu.memory_space<vmem>>, vector<16xf32>,
        %add3A_873 = arith.constant 32 : i32
        %add3A_874 = arith.addi %add3A_806, %add3A_873 : i32
        %get3A_875 = arith.index_cast %add3A_874 : i32 to index
        %get3A_876 = tpu.vector_load %arg4[%get3A_875] {strides = array<i32>} : memref<18432xf32, #tpu.memory_space<vmem>>, vector<16xf32>,
        %add3A_877 = arith.constant 1 : i32
        %add3A_878 = arith.addi %add3A_812, %add3A_877 : i32
        %add3A_879 = arith.constant 32 : i32
        %add3A_880 = arith.addi %add3A_878, %add3A_879 : i32
        %swap3A_881 = arith.index_cast %add3A_880 : i32 to index
        %swap3A_882 = tpu.vector_load %arg5[%swap3A_881] {strides = array<i32>} : memref<26624xf32, #tpu.memory_space<vmem>>, vector<16xf32>,
        tpu.vector_store %arg5[%swap3A_881], %get3A_876 {strides = array<i32>} : memref<26624xf32, #tpu.memory_space<vmem>>, vector<16xf32>,
        %add3A_883 = arith.constant 48 : i32
        %add3A_884 = arith.addi %add3A_806, %add3A_883 : i32
        %get3A_885 = arith.index_cast %add3A_884 : i32 to index
        %get3A_886 = tpu.vector_load %arg4[%get3A_885] {strides = array<i32>} : memref<18432xf32, #tpu.memory_space<vmem>>, vector<16xf32>,
        %add3A_887 = arith.constant 1 : i32
        %add3A_888 = arith.addi %add3A_812, %add3A_887 : i32
        %add3A_889 = arith.constant 48 : i32
        %add3A_890 = arith.addi %add3A_888, %add3A_889 : i32
        %swap3A_891 = arith.index_cast %add3A_890 : i32 to index
        %swap3A_892 = tpu.vector_load %arg5[%swap3A_891] {strides = array<i32>} : memref<26624xf32, #tpu.memory_space<vmem>>, vector<16xf32>,
        tpu.vector_store %arg5[%swap3A_891], %get3A_886 {strides = array<i32>} : memref<26624xf32, #tpu.memory_space<vmem>>, vector<16xf32>,
        %add3A_893 = arith.constant 64 : i32
        %add3A_894 = arith.addi %add3A_806, %add3A_893 : i32
        %get3A_895 = arith.index_cast %add3A_894 : i32 to index
        %get3A_896 = tpu.vector_load %arg4[%get3A_895] {strides = array<i32>} : memref<18432xf32, #tpu.memory_space<vmem>>, vector<16xf32>,
        %add3A_897 = arith.constant 1 : i32
        %add3A_898 = arith.addi %add3A_812, %add3A_897 : i32
        %add3A_899 = arith.constant 64 : i32
        %add3A_900 = arith.addi %add3A_898, %add3A_899 : i32
        %swap3A_901 = arith.index_cast %add3A_900 : i32 to index
        %swap3A_902 = tpu.vector_load %arg5[%swap3A_901] {strides = array<i32>} : memref<26624xf32, #tpu.memory_space<vmem>>, vector<16xf32>,
        tpu.vector_store %arg5[%swap3A_901], %get3A_896 {strides = array<i32>} : memref<26624xf32, #tpu.memory_space<vmem>>, vector<16xf32>,
        %add3A_903 = arith.constant 80 : i32
        %add3A_904 = arith.addi %add3A_806, %add3A_903 : i32
        %get3A_905 = arith.index_cast %add3A_904 : i32 to index
        %get3A_906 = tpu.vector_load %arg4[%get3A_905] {strides = array<i32>} : memref<18432xf32, #tpu.memory_space<vmem>>, vector<16xf32>,
        %add3A_907 = arith.constant 1 : i32
        %add3A_908 = arith.addi %add3A_812, %add3A_907 : i32
        %add3A_909 = arith.constant 80 : i32
        %add3A_910 = arith.addi %add3A_908, %add3A_909 : i32
        %swap3A_911 = arith.index_cast %add3A_910 : i32 to index
        %swap3A_912 = tpu.vector_load %arg5[%swap3A_911] {strides = array<i32>} : memref<26624xf32, #tpu.memory_space<vmem>>, vector<16xf32>,
        tpu.vector_store %arg5[%swap3A_911], %get3A_906 {strides = array<i32>} : memref<26624xf32, #tpu.memory_space<vmem>>, vector<16xf32>,
        %scan3A_913 = arith.constant 3 : i32
        %scan3A_914 = arith.addi %scan3A_579, %scan3A_913 : i32
        %mul3A_915 = arith.constant 96 : i32
        %mul3A_916 = arith.muli %scan3A_914, %mul3A_915 : i32
        %add3A_917 = arith.constant 0 : i32
        %add3A_918 = arith.addi %add3A_917, %mul3A_916 : i32
        %add3A_919 = arith.constant 1 : i32
        %add3A_920 = arith.addi %scan3A_914, %add3A_919 : i32
        %mul3A_921 = arith.constant 128 : i32
        %mul3A_922 = arith.muli %add3A_920, %mul3A_921 : i32
        %add3A_923 = arith.constant 0 : i32
        %add3A_924 = arith.addi %add3A_923, %mul3A_922 : i32
        %add3A_925 = arith.constant 96 : i32
        %add3A_926 = arith.addi %add3A_918, %add3A_925 : i32
        %sub3A_927 = arith.constant 18 : i32
        %sub3A_928 = arith.subi %add3A_926, %sub3A_927 : i32
        %get3A_929 = arith.index_cast %sub3A_928 : i32 to index
        %get3A_930 = tpu.vector_load %arg4[%get3A_929] {strides = array<i32>} : memref<18432xf32, #tpu.memory_space<vmem>>, vector<16xf32>,
        %add3A_931 = arith.constant 96 : i32
        %add3A_932 = arith.addi %add3A_918, %add3A_931 : i32
        %sub3A_933 = arith.constant 17 : i32
        %sub3A_934 = arith.subi %add3A_932, %sub3A_933 : i32
        %get3A_935 = arith.index_cast %sub3A_934 : i32 to index
        %get3A_936 = tpu.vector_load %arg4[%get3A_935] {strides = array<i32>} : memref<18432xf32, #tpu.memory_space<vmem>>, vector<16xf32>,
        %add3A_937 = arith.constant 96 : i32
        %add3A_938 = arith.addi %add3A_918, %add3A_937 : i32
        %sub3A_939 = arith.constant 16 : i32
        %sub3A_940 = arith.subi %add3A_938, %sub3A_939 : i32
        %get3A_941 = arith.index_cast %sub3A_940 : i32 to index
        %get3A_942 = tpu.vector_load %arg4[%get3A_941] {strides = array<i32>} : memref<18432xf32, #tpu.memory_space<vmem>>, vector<16xf32>,
        %add3A_943 = arith.addf %get3A_930, %get3A_936 : vector<16xf32>
        %add3A_944 = arith.addf %add3A_943, %get3A_942 : vector<16xf32>
        %mul3A_945 = vector.broadcast %scan3A_63 : f32 to vector<16xf32>
        %mul3A_946 = arith.mulf %add3A_944, %mul3A_945 : vector<16xf32>
        %mul3A_947 = vector.broadcast %select_n3A_60 : f32 to vector<16xf32>
        %mul3A_948 = arith.mulf %mul3A_946, %mul3A_947 : vector<16xf32>
        %add3A_949 = arith.constant 82 : i32
        %add3A_950 = arith.addi %add3A_924, %add3A_949 : i32
        %swap3A_951 = arith.index_cast %add3A_950 : i32 to index
        %swap3A_952 = tpu.vector_load %arg5[%swap3A_951] {strides = array<i32>} : memref<26624xf32, #tpu.memory_space<vmem>>, vector<16xf32>,
        tpu.vector_store %arg5[%swap3A_951], %mul3A_948 {strides = array<i32>} : memref<26624xf32, #tpu.memory_space<vmem>>, vector<16xf32>,
        %get3A_953 = arith.index_cast %add3A_918 : i32 to index
        %get3A_954 = tpu.vector_load %arg4[%get3A_953] {strides = array<i32>} : memref<18432xf32, #tpu.memory_space<vmem>>, vector<16xf32>,
        %add3A_955 = arith.constant 1 : i32
        %add3A_956 = arith.addi %add3A_918, %add3A_955 : i32
        %get3A_957 = arith.index_cast %add3A_956 : i32 to index
        %get3A_958 = tpu.vector_load %arg4[%get3A_957] {strides = array<i32>} : memref<18432xf32, #tpu.memory_space<vmem>>, vector<16xf32>,
        %add3A_959 = arith.constant 2 : i32
        %add3A_960 = arith.addi %add3A_918, %add3A_959 : i32
        %get3A_961 = arith.index_cast %add3A_960 : i32 to index
        %get3A_962 = tpu.vector_load %arg4[%get3A_961] {strides = array<i32>} : memref<18432xf32, #tpu.memory_space<vmem>>, vector<16xf32>,
        %add3A_963 = arith.addf %get3A_954, %get3A_958 : vector<16xf32>
        %add3A_964 = arith.addf %add3A_963, %get3A_962 : vector<16xf32>
        %mul3A_965 = vector.broadcast %scan3A_63 : f32 to vector<16xf32>
        %mul3A_966 = arith.mulf %add3A_964, %mul3A_965 : vector<16xf32>
        %mul3A_967 = vector.broadcast %select_n3A_39 : f32 to vector<16xf32>
        %mul3A_968 = arith.mulf %mul3A_966, %mul3A_967 : vector<16xf32>
        %swap3A_969 = arith.index_cast %add3A_924 : i32 to index
        %swap3A_970 = tpu.vector_load %arg5[%swap3A_969] {strides = array<i32>} : memref<26624xf32, #tpu.memory_space<vmem>>, vector<16xf32>,
        tpu.vector_store %arg5[%swap3A_969], %mul3A_968 {strides = array<i32>} : memref<26624xf32, #tpu.memory_space<vmem>>, vector<16xf32>,
        %add3A_971 = arith.constant 1 : i32
        %add3A_972 = arith.addi %add3A_924, %add3A_971 : i32
        %swap3A_973 = arith.index_cast %add3A_972 : i32 to index
        %swap3A_974 = tpu.vector_load %arg5[%swap3A_973] {strides = array<i32>} : memref<26624xf32, #tpu.memory_space<vmem>>, vector<16xf32>,
        tpu.vector_store %arg5[%swap3A_973], %get3A_954 {strides = array<i32>} : memref<26624xf32, #tpu.memory_space<vmem>>, vector<16xf32>,
        %add3A_975 = arith.constant 16 : i32
        %add3A_976 = arith.addi %add3A_918, %add3A_975 : i32
        %get3A_977 = arith.index_cast %add3A_976 : i32 to index
        %get3A_978 = tpu.vector_load %arg4[%get3A_977] {strides = array<i32>} : memref<18432xf32, #tpu.memory_space<vmem>>, vector<16xf32>,
        %add3A_979 = arith.constant 1 : i32
        %add3A_980 = arith.addi %add3A_924, %add3A_979 : i32
        %add3A_981 = arith.constant 16 : i32
        %add3A_982 = arith.addi %add3A_980, %add3A_981 : i32
        %swap3A_983 = arith.index_cast %add3A_982 : i32 to index
        %swap3A_984 = tpu.vector_load %arg5[%swap3A_983] {strides = array<i32>} : memref<26624xf32, #tpu.memory_space<vmem>>, vector<16xf32>,
        tpu.vector_store %arg5[%swap3A_983], %get3A_978 {strides = array<i32>} : memref<26624xf32, #tpu.memory_space<vmem>>, vector<16xf32>,
        %add3A_985 = arith.constant 32 : i32
        %add3A_986 = arith.addi %add3A_918, %add3A_985 : i32
        %get3A_987 = arith.index_cast %add3A_986 : i32 to index
        %get3A_988 = tpu.vector_load %arg4[%get3A_987] {strides = array<i32>} : memref<18432xf32, #tpu.memory_space<vmem>>, vector<16xf32>,
        %add3A_989 = arith.constant 1 : i32
        %add3A_990 = arith.addi %add3A_924, %add3A_989 : i32
        %add3A_991 = arith.constant 32 : i32
        %add3A_992 = arith.addi %add3A_990, %add3A_991 : i32
        %swap3A_993 = arith.index_cast %add3A_992 : i32 to index
        %swap3A_994 = tpu.vector_load %arg5[%swap3A_993] {strides = array<i32>} : memref<26624xf32, #tpu.memory_space<vmem>>, vector<16xf32>,
        tpu.vector_store %arg5[%swap3A_993], %get3A_988 {strides = array<i32>} : memref<26624xf32, #tpu.memory_space<vmem>>, vector<16xf32>,
        %add3A_995 = arith.constant 48 : i32
        %add3A_996 = arith.addi %add3A_918, %add3A_995 : i32
        %get3A_997 = arith.index_cast %add3A_996 : i32 to index
        %get3A_998 = tpu.vector_load %arg4[%get3A_997] {strides = array<i32>} : memref<18432xf32, #tpu.memory_space<vmem>>, vector<16xf32>,
        %add3A_999 = arith.constant 1 : i32
        %add3A_1000 = arith.addi %add3A_924, %add3A_999 : i32
        %add3A_1001 = arith.constant 48 : i32
        %add3A_1002 = arith.addi %add3A_1000, %add3A_1001 : i32
        %swap3A_1003 = arith.index_cast %add3A_1002 : i32 to index
        %swap3A_1004 = tpu.vector_load %arg5[%swap3A_1003] {strides = array<i32>} : memref<26624xf32, #tpu.memory_space<vmem>>, vector<16xf32>,
        tpu.vector_store %arg5[%swap3A_1003], %get3A_998 {strides = array<i32>} : memref<26624xf32, #tpu.memory_space<vmem>>, vector<16xf32>,
        %add3A_1005 = arith.constant 64 : i32
        %add3A_1006 = arith.addi %add3A_918, %add3A_1005 : i32
        %get3A_1007 = arith.index_cast %add3A_1006 : i32 to index
        %get3A_1008 = tpu.vector_load %arg4[%get3A_1007] {strides = array<i32>} : memref<18432xf32, #tpu.memory_space<vmem>>, vector<16xf32>,
        %add3A_1009 = arith.constant 1 : i32
        %add3A_1010 = arith.addi %add3A_924, %add3A_1009 : i32
        %add3A_1011 = arith.constant 64 : i32
        %add3A_1012 = arith.addi %add3A_1010, %add3A_1011 : i32
        %swap3A_1013 = arith.index_cast %add3A_1012 : i32 to index
        %swap3A_1014 = tpu.vector_load %arg5[%swap3A_1013] {strides = array<i32>} : memref<26624xf32, #tpu.memory_space<vmem>>, vector<16xf32>,
        tpu.vector_store %arg5[%swap3A_1013], %get3A_1008 {strides = array<i32>} : memref<26624xf32, #tpu.memory_space<vmem>>, vector<16xf32>,
        %add3A_1015 = arith.constant 80 : i32
        %add3A_1016 = arith.addi %add3A_918, %add3A_1015 : i32
        %get3A_1017 = arith.index_cast %add3A_1016 : i32 to index
        %get3A_1018 = tpu.vector_load %arg4[%get3A_1017] {strides = array<i32>} : memref<18432xf32, #tpu.memory_space<vmem>>, vector<16xf32>,
        %add3A_1019 = arith.constant 1 : i32
        %add3A_1020 = arith.addi %add3A_924, %add3A_1019 : i32
        %add3A_1021 = arith.constant 80 : i32
        %add3A_1022 = arith.addi %add3A_1020, %add3A_1021 : i32
        %swap3A_1023 = arith.index_cast %add3A_1022 : i32 to index
        %swap3A_1024 = tpu.vector_load %arg5[%swap3A_1023] {strides = array<i32>} : memref<26624xf32, #tpu.memory_space<vmem>>, vector<16xf32>,
        tpu.vector_store %arg5[%swap3A_1023], %get3A_1018 {strides = array<i32>} : memref<26624xf32, #tpu.memory_space<vmem>>, vector<16xf32>,
      }
      %scan3A_328 = arith.constant 96 : i32
      %get3A_329 = arith.constant 9216 : index
      %get3A_330 = tpu.vector_load %arg4[%get3A_329] {strides = array<i32>} : memref<18432xf32, #tpu.memory_space<vmem>>, vector<16xf32>,
      %swap3A_331 = arith.constant 0 : index
      %swap3A_332 = tpu.vector_load %arg6[%swap3A_331] {strides = array<i32>} : memref<112xf32, #tpu.memory_space<vmem>>, vector<16xf32>,
      tpu.vector_store %arg6[%swap3A_331], %get3A_330 {strides = array<i32>} : memref<112xf32, #tpu.memory_space<vmem>>, vector<16xf32>,
      %get3A_333 = arith.constant 9232 : index
      %get3A_334 = tpu.vector_load %arg4[%get3A_333] {strides = array<i32>} : memref<18432xf32, #tpu.memory_space<vmem>>, vector<16xf32>,
      %swap3A_335 = arith.constant 16 : index
      %swap3A_336 = tpu.vector_load %arg6[%swap3A_335] {strides = array<i32>} : memref<112xf32, #tpu.memory_space<vmem>>, vector<16xf32>,
      tpu.vector_store %arg6[%swap3A_335], %get3A_334 {strides = array<i32>} : memref<112xf32, #tpu.memory_space<vmem>>, vector<16xf32>,
      %get3A_337 = arith.constant 9248 : index
      %get3A_338 = tpu.vector_load %arg4[%get3A_337] {strides = array<i32>} : memref<18432xf32, #tpu.memory_space<vmem>>, vector<16xf32>,
      %swap3A_339 = arith.constant 32 : index
      %swap3A_340 = tpu.vector_load %arg6[%swap3A_339] {strides = array<i32>} : memref<112xf32, #tpu.memory_space<vmem>>, vector<16xf32>,
      tpu.vector_store %arg6[%swap3A_339], %get3A_338 {strides = array<i32>} : memref<112xf32, #tpu.memory_space<vmem>>, vector<16xf32>,
      %get3A_341 = arith.constant 9264 : index
      %get3A_342 = tpu.vector_load %arg4[%get3A_341] {strides = array<i32>} : memref<18432xf32, #tpu.memory_space<vmem>>, vector<16xf32>,
      %swap3A_343 = arith.constant 48 : index
      %swap3A_344 = tpu.vector_load %arg6[%swap3A_343] {strides = array<i32>} : memref<112xf32, #tpu.memory_space<vmem>>, vector<16xf32>,
      tpu.vector_store %arg6[%swap3A_343], %get3A_342 {strides = array<i32>} : memref<112xf32, #tpu.memory_space<vmem>>, vector<16xf32>,
      %get3A_345 = arith.constant 9280 : index
      %get3A_346 = tpu.vector_load %arg4[%get3A_345] {strides = array<i32>} : memref<18432xf32, #tpu.memory_space<vmem>>, vector<16xf32>,
      %swap3A_347 = arith.constant 64 : index
      %swap3A_348 = tpu.vector_load %arg6[%swap3A_347] {strides = array<i32>} : memref<112xf32, #tpu.memory_space<vmem>>, vector<16xf32>,
      tpu.vector_store %arg6[%swap3A_347], %get3A_346 {strides = array<i32>} : memref<112xf32, #tpu.memory_space<vmem>>, vector<16xf32>,
      %get3A_349 = arith.constant 9296 : index
      %get3A_350 = tpu.vector_load %arg4[%get3A_349] {strides = array<i32>} : memref<18432xf32, #tpu.memory_space<vmem>>, vector<16xf32>,
      %swap3A_351 = arith.constant 80 : index
      %swap3A_352 = tpu.vector_load %arg6[%swap3A_351] {strides = array<i32>} : memref<112xf32, #tpu.memory_space<vmem>>, vector<16xf32>,
      tpu.vector_store %arg6[%swap3A_351], %get3A_350 {strides = array<i32>} : memref<112xf32, #tpu.memory_space<vmem>>, vector<16xf32>,
      %get3A_353 = arith.constant 80 : index
      %get3A_354 = tpu.vector_load %arg6[%get3A_353] {strides = array<i32>} : memref<112xf32, #tpu.memory_space<vmem>>, vector<16xf32>,
      %mul3A_355 = arith.mulf %select_n3A_14, %select_n3A_60 : f32
      %mul3A_356 = vector.broadcast %mul3A_355 : f32 to vector<16xf32>
      %mul3A_357 = arith.mulf %get3A_354, %mul3A_356 : vector<16xf32>
      %swap3A_358 = arith.constant 13394 : index
      %swap3A_359 = tpu.vector_load %arg5[%swap3A_358] {strides = array<i32>} : memref<26624xf32, #tpu.memory_space<vmem>>, vector<16xf32>,
      tpu.vector_store %arg5[%swap3A_358], %mul3A_357 {strides = array<i32>} : memref<26624xf32, #tpu.memory_space<vmem>>, vector<16xf32>,
      %get3A_360 = arith.constant 0 : index
      %get3A_361 = tpu.vector_load %arg6[%get3A_360] {strides = array<i32>} : memref<112xf32, #tpu.memory_space<vmem>>, vector<16xf32>,
      %mul3A_362 = arith.mulf %select_n3A_14, %select_n3A_39 : f32
      %mul3A_363 = vector.broadcast %mul3A_362 : f32 to vector<16xf32>
      %mul3A_364 = arith.mulf %get3A_361, %mul3A_363 : vector<16xf32>
      %swap3A_365 = arith.constant 13312 : index
      %swap3A_366 = tpu.vector_load %arg5[%swap3A_365] {strides = array<i32>} : memref<26624xf32, #tpu.memory_space<vmem>>, vector<16xf32>,
      tpu.vector_store %arg5[%swap3A_365], %mul3A_364 {strides = array<i32>} : memref<26624xf32, #tpu.memory_space<vmem>>, vector<16xf32>,
      %get3A_367 = arith.constant 0 : index
      %get3A_368 = tpu.vector_load %arg6[%get3A_367] {strides = array<i32>} : memref<112xf32, #tpu.memory_space<vmem>>, vector<16xf32>,
      %get3A_369 = arith.constant 1 : index
      %get3A_370 = tpu.vector_load %arg6[%get3A_369] {strides = array<i32>} : memref<112xf32, #tpu.memory_space<vmem>>, vector<16xf32>,
      %add3A_371 = arith.addf %get3A_368, %get3A_370 : vector<16xf32>
      %get3A_372 = arith.constant 2 : index
      %get3A_373 = tpu.vector_load %arg6[%get3A_372] {strides = array<i32>} : memref<112xf32, #tpu.memory_space<vmem>>, vector<16xf32>,
      %add3A_374 = arith.addf %add3A_371, %get3A_373 : vector<16xf32>
      %mul3A_375 = vector.broadcast %scan3A_63 : f32 to vector<16xf32>
      %mul3A_376 = arith.mulf %add3A_374, %mul3A_375 : vector<16xf32>
      %mul3A_377 = vector.broadcast %select_n3A_14 : f32 to vector<16xf32>
      %mul3A_378 = arith.mulf %mul3A_376, %mul3A_377 : vector<16xf32>
      %swap3A_379 = arith.constant 13313 : index
      %swap3A_380 = tpu.vector_load %arg5[%swap3A_379] {strides = array<i32>} : memref<26624xf32, #tpu.memory_space<vmem>>, vector<16xf32>,
      tpu.vector_store %arg5[%swap3A_379], %mul3A_378 {strides = array<i32>} : memref<26624xf32, #tpu.memory_space<vmem>>, vector<16xf32>,
      %get3A_381 = arith.constant 16 : index
      %get3A_382 = tpu.vector_load %arg6[%get3A_381] {strides = array<i32>} : memref<112xf32, #tpu.memory_space<vmem>>, vector<16xf32>,
      %get3A_383 = arith.constant 17 : index
      %get3A_384 = tpu.vector_load %arg6[%get3A_383] {strides = array<i32>} : memref<112xf32, #tpu.memory_space<vmem>>, vector<16xf32>,
      %add3A_385 = arith.addf %get3A_382, %get3A_384 : vector<16xf32>
      %get3A_386 = arith.constant 18 : index
      %get3A_387 = tpu.vector_load %arg6[%get3A_386] {strides = array<i32>} : memref<112xf32, #tpu.memory_space<vmem>>, vector<16xf32>,
      %add3A_388 = arith.addf %add3A_385, %get3A_387 : vector<16xf32>
      %mul3A_389 = vector.broadcast %scan3A_63 : f32 to vector<16xf32>
      %mul3A_390 = arith.mulf %add3A_388, %mul3A_389 : vector<16xf32>
      %mul3A_391 = vector.broadcast %select_n3A_14 : f32 to vector<16xf32>
      %mul3A_392 = arith.mulf %mul3A_390, %mul3A_391 : vector<16xf32>
      %swap3A_393 = arith.constant 13329 : index
      %swap3A_394 = tpu.vector_load %arg5[%swap3A_393] {strides = array<i32>} : memref<26624xf32, #tpu.memory_space<vmem>>, vector<16xf32>,
      tpu.vector_store %arg5[%swap3A_393], %mul3A_392 {strides = array<i32>} : memref<26624xf32, #tpu.memory_space<vmem>>, vector<16xf32>,
      %get3A_395 = arith.constant 32 : index
      %get3A_396 = tpu.vector_load %arg6[%get3A_395] {strides = array<i32>} : memref<112xf32, #tpu.memory_space<vmem>>, vector<16xf32>,
      %get3A_397 = arith.constant 33 : index
      %get3A_398 = tpu.vector_load %arg6[%get3A_397] {strides = array<i32>} : memref<112xf32, #tpu.memory_space<vmem>>, vector<16xf32>,
      %add3A_399 = arith.addf %get3A_396, %get3A_398 : vector<16xf32>
      %get3A_400 = arith.constant 34 : index
      %get3A_401 = tpu.vector_load %arg6[%get3A_400] {strides = array<i32>} : memref<112xf32, #tpu.memory_space<vmem>>, vector<16xf32>,
      %add3A_402 = arith.addf %add3A_399, %get3A_401 : vector<16xf32>
      %mul3A_403 = vector.broadcast %scan3A_63 : f32 to vector<16xf32>
      %mul3A_404 = arith.mulf %add3A_402, %mul3A_403 : vector<16xf32>
      %mul3A_405 = vector.broadcast %select_n3A_14 : f32 to vector<16xf32>
      %mul3A_406 = arith.mulf %mul3A_404, %mul3A_405 : vector<16xf32>
      %swap3A_407 = arith.constant 13345 : index
      %swap3A_408 = tpu.vector_load %arg5[%swap3A_407] {strides = array<i32>} : memref<26624xf32, #tpu.memory_space<vmem>>, vector<16xf32>,
      tpu.vector_store %arg5[%swap3A_407], %mul3A_406 {strides = array<i32>} : memref<26624xf32, #tpu.memory_space<vmem>>, vector<16xf32>,
      %get3A_409 = arith.constant 48 : index
      %get3A_410 = tpu.vector_load %arg6[%get3A_409] {strides = array<i32>} : memref<112xf32, #tpu.memory_space<vmem>>, vector<16xf32>,
      %get3A_411 = arith.constant 49 : index
      %get3A_412 = tpu.vector_load %arg6[%get3A_411] {strides = array<i32>} : memref<112xf32, #tpu.memory_space<vmem>>, vector<16xf32>,
      %add3A_413 = arith.addf %get3A_410, %get3A_412 : vector<16xf32>
      %get3A_414 = arith.constant 50 : index
      %get3A_415 = tpu.vector_load %arg6[%get3A_414] {strides = array<i32>} : memref<112xf32, #tpu.memory_space<vmem>>, vector<16xf32>,
      %add3A_416 = arith.addf %add3A_413, %get3A_415 : vector<16xf32>
      %mul3A_417 = vector.broadcast %scan3A_63 : f32 to vector<16xf32>
      %mul3A_418 = arith.mulf %add3A_416, %mul3A_417 : vector<16xf32>
      %mul3A_419 = vector.broadcast %select_n3A_14 : f32 to vector<16xf32>
      %mul3A_420 = arith.mulf %mul3A_418, %mul3A_419 : vector<16xf32>
      %swap3A_421 = arith.constant 13361 : index
      %swap3A_422 = tpu.vector_load %arg5[%swap3A_421] {strides = array<i32>} : memref<26624xf32, #tpu.memory_space<vmem>>, vector<16xf32>,
      tpu.vector_store %arg5[%swap3A_421], %mul3A_420 {strides = array<i32>} : memref<26624xf32, #tpu.memory_space<vmem>>, vector<16xf32>,
      %get3A_423 = arith.constant 64 : index
      %get3A_424 = tpu.vector_load %arg6[%get3A_423] {strides = array<i32>} : memref<112xf32, #tpu.memory_space<vmem>>, vector<16xf32>,
      %get3A_425 = arith.constant 65 : index
      %get3A_426 = tpu.vector_load %arg6[%get3A_425] {strides = array<i32>} : memref<112xf32, #tpu.memory_space<vmem>>, vector<16xf32>,
      %add3A_427 = arith.addf %get3A_424, %get3A_426 : vector<16xf32>
      %get3A_428 = arith.constant 66 : index
      %get3A_429 = tpu.vector_load %arg6[%get3A_428] {strides = array<i32>} : memref<112xf32, #tpu.memory_space<vmem>>, vector<16xf32>,
      %add3A_430 = arith.addf %add3A_427, %get3A_429 : vector<16xf32>
      %mul3A_431 = vector.broadcast %scan3A_63 : f32 to vector<16xf32>
      %mul3A_432 = arith.mulf %add3A_430, %mul3A_431 : vector<16xf32>
      %mul3A_433 = vector.broadcast %select_n3A_14 : f32 to vector<16xf32>
      %mul3A_434 = arith.mulf %mul3A_432, %mul3A_433 : vector<16xf32>
      %swap3A_435 = arith.constant 13377 : index
      %swap3A_436 = tpu.vector_load %arg5[%swap3A_435] {strides = array<i32>} : memref<26624xf32, #tpu.memory_space<vmem>>, vector<16xf32>,
      tpu.vector_store %arg5[%swap3A_435], %mul3A_434 {strides = array<i32>} : memref<26624xf32, #tpu.memory_space<vmem>>, vector<16xf32>,
      %get3A_437 = arith.constant 80 : index
      %get3A_438 = tpu.vector_load %arg6[%get3A_437] {strides = array<i32>} : memref<112xf32, #tpu.memory_space<vmem>>, vector<16xf32>,
      %get3A_439 = arith.constant 81 : index
      %get3A_440 = tpu.vector_load %arg6[%get3A_439] {strides = array<i32>} : memref<112xf32, #tpu.memory_space<vmem>>, vector<16xf32>,
      %add3A_441 = arith.addf %get3A_438, %get3A_440 : vector<16xf32>
      %get3A_442 = arith.constant 82 : index
      %get3A_443 = tpu.vector_load %arg6[%get3A_442] {strides = array<i32>} : memref<112xf32, #tpu.memory_space<vmem>>, vector<16xf32>,
      %add3A_444 = arith.addf %add3A_441, %get3A_443 : vector<16xf32>
      %mul3A_445 = vector.broadcast %scan3A_63 : f32 to vector<16xf32>
      %mul3A_446 = arith.mulf %add3A_444, %mul3A_445 : vector<16xf32>
      %mul3A_447 = vector.broadcast %select_n3A_14 : f32 to vector<16xf32>
      %mul3A_448 = arith.mulf %mul3A_446, %mul3A_447 : vector<16xf32>
      %swap3A_449 = arith.constant 13393 : index
      %swap3A_450 = tpu.vector_load %arg5[%swap3A_449] {strides = array<i32>} : memref<26624xf32, #tpu.memory_space<vmem>>, vector<16xf32>,
      tpu.vector_store %arg5[%swap3A_449], %mul3A_448 {strides = array<i32>} : memref<26624xf32, #tpu.memory_space<vmem>>, vector<16xf32>,
      %get3A_451 = arith.constant 18336 : index
      %get3A_452 = tpu.vector_load %arg4[%get3A_451] {strides = array<i32>} : memref<18432xf32, #tpu.memory_space<vmem>>, vector<16xf32>,
      %swap3A_453 = arith.constant 0 : index
      %swap3A_454 = tpu.vector_load %arg6[%swap3A_453] {strides = array<i32>} : memref<112xf32, #tpu.memory_space<vmem>>, vector<16xf32>,
      tpu.vector_store %arg6[%swap3A_453], %get3A_452 {strides = array<i32>} : memref<112xf32, #tpu.memory_space<vmem>>, vector<16xf32>,
      %get3A_455 = arith.constant 18352 : index
      %get3A_456 = tpu.vector_load %arg4[%get3A_455] {strides = array<i32>} : memref<18432xf32, #tpu.memory_space<vmem>>, vector<16xf32>,
      %swap3A_457 = arith.constant 16 : index
      %swap3A_458 = tpu.vector_load %arg6[%swap3A_457] {strides = array<i32>} : memref<112xf32, #tpu.memory_space<vmem>>, vector<16xf32>,
      tpu.vector_store %arg6[%swap3A_457], %get3A_456 {strides = array<i32>} : memref<112xf32, #tpu.memory_space<vmem>>, vector<16xf32>,
      %get3A_459 = arith.constant 18368 : index
      %get3A_460 = tpu.vector_load %arg4[%get3A_459] {strides = array<i32>} : memref<18432xf32, #tpu.memory_space<vmem>>, vector<16xf32>,
      %swap3A_461 = arith.constant 32 : index
      %swap3A_462 = tpu.vector_load %arg6[%swap3A_461] {strides = array<i32>} : memref<112xf32, #tpu.memory_space<vmem>>, vector<16xf32>,
      tpu.vector_store %arg6[%swap3A_461], %get3A_460 {strides = array<i32>} : memref<112xf32, #tpu.memory_space<vmem>>, vector<16xf32>,
      %get3A_463 = arith.constant 18384 : index
      %get3A_464 = tpu.vector_load %arg4[%get3A_463] {strides = array<i32>} : memref<18432xf32, #tpu.memory_space<vmem>>, vector<16xf32>,
      %swap3A_465 = arith.constant 48 : index
      %swap3A_466 = tpu.vector_load %arg6[%swap3A_465] {strides = array<i32>} : memref<112xf32, #tpu.memory_space<vmem>>, vector<16xf32>,
      tpu.vector_store %arg6[%swap3A_465], %get3A_464 {strides = array<i32>} : memref<112xf32, #tpu.memory_space<vmem>>, vector<16xf32>,
      %get3A_467 = arith.constant 18400 : index
      %get3A_468 = tpu.vector_load %arg4[%get3A_467] {strides = array<i32>} : memref<18432xf32, #tpu.memory_space<vmem>>, vector<16xf32>,
      %swap3A_469 = arith.constant 64 : index
      %swap3A_470 = tpu.vector_load %arg6[%swap3A_469] {strides = array<i32>} : memref<112xf32, #tpu.memory_space<vmem>>, vector<16xf32>,
      tpu.vector_store %arg6[%swap3A_469], %get3A_468 {strides = array<i32>} : memref<112xf32, #tpu.memory_space<vmem>>, vector<16xf32>,
      %get3A_471 = arith.constant 18416 : index
      %get3A_472 = tpu.vector_load %arg4[%get3A_471] {strides = array<i32>} : memref<18432xf32, #tpu.memory_space<vmem>>, vector<16xf32>,
      %swap3A_473 = arith.constant 80 : index
      %swap3A_474 = tpu.vector_load %arg6[%swap3A_473] {strides = array<i32>} : memref<112xf32, #tpu.memory_space<vmem>>, vector<16xf32>,
      tpu.vector_store %arg6[%swap3A_473], %get3A_472 {strides = array<i32>} : memref<112xf32, #tpu.memory_space<vmem>>, vector<16xf32>,
      %get3A_475 = arith.constant 80 : index
      %get3A_476 = tpu.vector_load %arg6[%get3A_475] {strides = array<i32>} : memref<112xf32, #tpu.memory_space<vmem>>, vector<16xf32>,
      %mul3A_477 = arith.mulf %select_n3A_18, %select_n3A_60 : f32
      %mul3A_478 = vector.broadcast %mul3A_477 : f32 to vector<16xf32>
      %mul3A_479 = arith.mulf %get3A_476, %mul3A_478 : vector<16xf32>
      %swap3A_480 = arith.constant 25810 : index
      %swap3A_481 = tpu.vector_load %arg5[%swap3A_480] {strides = array<i32>} : memref<26624xf32, #tpu.memory_space<vmem>>, vector<16xf32>,
      tpu.vector_store %arg5[%swap3A_480], %mul3A_479 {strides = array<i32>} : memref<26624xf32, #tpu.memory_space<vmem>>, vector<16xf32>,
      %get3A_482 = arith.constant 0 : index
      %get3A_483 = tpu.vector_load %arg6[%get3A_482] {strides = array<i32>} : memref<112xf32, #tpu.memory_space<vmem>>, vector<16xf32>,
      %mul3A_484 = arith.mulf %select_n3A_18, %select_n3A_39 : f32
      %mul3A_485 = vector.broadcast %mul3A_484 : f32 to vector<16xf32>
      %mul3A_486 = arith.mulf %get3A_483, %mul3A_485 : vector<16xf32>
      %swap3A_487 = arith.constant 25728 : index
      %swap3A_488 = tpu.vector_load %arg5[%swap3A_487] {strides = array<i32>} : memref<26624xf32, #tpu.memory_space<vmem>>, vector<16xf32>,
      tpu.vector_store %arg5[%swap3A_487], %mul3A_486 {strides = array<i32>} : memref<26624xf32, #tpu.memory_space<vmem>>, vector<16xf32>,
      %get3A_489 = arith.constant 0 : index
      %get3A_490 = tpu.vector_load %arg6[%get3A_489] {strides = array<i32>} : memref<112xf32, #tpu.memory_space<vmem>>, vector<16xf32>,
      %get3A_491 = arith.constant 1 : index
      %get3A_492 = tpu.vector_load %arg6[%get3A_491] {strides = array<i32>} : memref<112xf32, #tpu.memory_space<vmem>>, vector<16xf32>,
      %add3A_493 = arith.addf %get3A_490, %get3A_492 : vector<16xf32>
      %get3A_494 = arith.constant 2 : index
      %get3A_495 = tpu.vector_load %arg6[%get3A_494] {strides = array<i32>} : memref<112xf32, #tpu.memory_space<vmem>>, vector<16xf32>,
      %add3A_496 = arith.addf %add3A_493, %get3A_495 : vector<16xf32>
      %mul3A_497 = vector.broadcast %scan3A_63 : f32 to vector<16xf32>
      %mul3A_498 = arith.mulf %add3A_496, %mul3A_497 : vector<16xf32>
      %mul3A_499 = vector.broadcast %select_n3A_18 : f32 to vector<16xf32>
      %mul3A_500 = arith.mulf %mul3A_498, %mul3A_499 : vector<16xf32>
      %swap3A_501 = arith.constant 25729 : index
      %swap3A_502 = tpu.vector_load %arg5[%swap3A_501] {strides = array<i32>} : memref<26624xf32, #tpu.memory_space<vmem>>, vector<16xf32>,
      tpu.vector_store %arg5[%swap3A_501], %mul3A_500 {strides = array<i32>} : memref<26624xf32, #tpu.memory_space<vmem>>, vector<16xf32>,
      %get3A_503 = arith.constant 16 : index
      %get3A_504 = tpu.vector_load %arg6[%get3A_503] {strides = array<i32>} : memref<112xf32, #tpu.memory_space<vmem>>, vector<16xf32>,
      %get3A_505 = arith.constant 17 : index
      %get3A_506 = tpu.vector_load %arg6[%get3A_505] {strides = array<i32>} : memref<112xf32, #tpu.memory_space<vmem>>, vector<16xf32>,
      %add3A_507 = arith.addf %get3A_504, %get3A_506 : vector<16xf32>
      %get3A_508 = arith.constant 18 : index
      %get3A_509 = tpu.vector_load %arg6[%get3A_508] {strides = array<i32>} : memref<112xf32, #tpu.memory_space<vmem>>, vector<16xf32>,
      %add3A_510 = arith.addf %add3A_507, %get3A_509 : vector<16xf32>
      %mul3A_511 = vector.broadcast %scan3A_63 : f32 to vector<16xf32>
      %mul3A_512 = arith.mulf %add3A_510, %mul3A_511 : vector<16xf32>
      %mul3A_513 = vector.broadcast %select_n3A_18 : f32 to vector<16xf32>
      %mul3A_514 = arith.mulf %mul3A_512, %mul3A_513 : vector<16xf32>
      %swap3A_515 = arith.constant 25745 : index
      %swap3A_516 = tpu.vector_load %arg5[%swap3A_515] {strides = array<i32>} : memref<26624xf32, #tpu.memory_space<vmem>>, vector<16xf32>,
      tpu.vector_store %arg5[%swap3A_515], %mul3A_514 {strides = array<i32>} : memref<26624xf32, #tpu.memory_space<vmem>>, vector<16xf32>,
      %get3A_517 = arith.constant 32 : index
      %get3A_518 = tpu.vector_load %arg6[%get3A_517] {strides = array<i32>} : memref<112xf32, #tpu.memory_space<vmem>>, vector<16xf32>,
      %get3A_519 = arith.constant 33 : index
      %get3A_520 = tpu.vector_load %arg6[%get3A_519] {strides = array<i32>} : memref<112xf32, #tpu.memory_space<vmem>>, vector<16xf32>,
      %add3A_521 = arith.addf %get3A_518, %get3A_520 : vector<16xf32>
      %get3A_522 = arith.constant 34 : index
      %get3A_523 = tpu.vector_load %arg6[%get3A_522] {strides = array<i32>} : memref<112xf32, #tpu.memory_space<vmem>>, vector<16xf32>,
      %add3A_524 = arith.addf %add3A_521, %get3A_523 : vector<16xf32>
      %mul3A_525 = vector.broadcast %scan3A_63 : f32 to vector<16xf32>
      %mul3A_526 = arith.mulf %add3A_524, %mul3A_525 : vector<16xf32>
      %mul3A_527 = vector.broadcast %select_n3A_18 : f32 to vector<16xf32>
      %mul3A_528 = arith.mulf %mul3A_526, %mul3A_527 : vector<16xf32>
      %swap3A_529 = arith.constant 25761 : index
      %swap3A_530 = tpu.vector_load %arg5[%swap3A_529] {strides = array<i32>} : memref<26624xf32, #tpu.memory_space<vmem>>, vector<16xf32>,
      tpu.vector_store %arg5[%swap3A_529], %mul3A_528 {strides = array<i32>} : memref<26624xf32, #tpu.memory_space<vmem>>, vector<16xf32>,
      %get3A_531 = arith.constant 48 : index
      %get3A_532 = tpu.vector_load %arg6[%get3A_531] {strides = array<i32>} : memref<112xf32, #tpu.memory_space<vmem>>, vector<16xf32>,
      %get3A_533 = arith.constant 49 : index
      %get3A_534 = tpu.vector_load %arg6[%get3A_533] {strides = array<i32>} : memref<112xf32, #tpu.memory_space<vmem>>, vector<16xf32>,
      %add3A_535 = arith.addf %get3A_532, %get3A_534 : vector<16xf32>
      %get3A_536 = arith.constant 50 : index
      %get3A_537 = tpu.vector_load %arg6[%get3A_536] {strides = array<i32>} : memref<112xf32, #tpu.memory_space<vmem>>, vector<16xf32>,
      %add3A_538 = arith.addf %add3A_535, %get3A_537 : vector<16xf32>
      %mul3A_539 = vector.broadcast %scan3A_63 : f32 to vector<16xf32>
      %mul3A_540 = arith.mulf %add3A_538, %mul3A_539 : vector<16xf32>
      %mul3A_541 = vector.broadcast %select_n3A_18 : f32 to vector<16xf32>
      %mul3A_542 = arith.mulf %mul3A_540, %mul3A_541 : vector<16xf32>
      %swap3A_543 = arith.constant 25777 : index
      %swap3A_544 = tpu.vector_load %arg5[%swap3A_543] {strides = array<i32>} : memref<26624xf32, #tpu.memory_space<vmem>>, vector<16xf32>,
      tpu.vector_store %arg5[%swap3A_543], %mul3A_542 {strides = array<i32>} : memref<26624xf32, #tpu.memory_space<vmem>>, vector<16xf32>,
      %get3A_545 = arith.constant 64 : index
      %get3A_546 = tpu.vector_load %arg6[%get3A_545] {strides = array<i32>} : memref<112xf32, #tpu.memory_space<vmem>>, vector<16xf32>,
      %get3A_547 = arith.constant 65 : index
      %get3A_548 = tpu.vector_load %arg6[%get3A_547] {strides = array<i32>} : memref<112xf32, #tpu.memory_space<vmem>>, vector<16xf32>,
      %add3A_549 = arith.addf %get3A_546, %get3A_548 : vector<16xf32>
      %get3A_550 = arith.constant 66 : index
      %get3A_551 = tpu.vector_load %arg6[%get3A_550] {strides = array<i32>} : memref<112xf32, #tpu.memory_space<vmem>>, vector<16xf32>,
      %add3A_552 = arith.addf %add3A_549, %get3A_551 : vector<16xf32>
      %mul3A_553 = vector.broadcast %scan3A_63 : f32 to vector<16xf32>
      %mul3A_554 = arith.mulf %add3A_552, %mul3A_553 : vector<16xf32>
      %mul3A_555 = vector.broadcast %select_n3A_18 : f32 to vector<16xf32>
      %mul3A_556 = arith.mulf %mul3A_554, %mul3A_555 : vector<16xf32>
      %swap3A_557 = arith.constant 25793 : index
      %swap3A_558 = tpu.vector_load %arg5[%swap3A_557] {strides = array<i32>} : memref<26624xf32, #tpu.memory_space<vmem>>, vector<16xf32>,
      tpu.vector_store %arg5[%swap3A_557], %mul3A_556 {strides = array<i32>} : memref<26624xf32, #tpu.memory_space<vmem>>, vector<16xf32>,
      %get3A_559 = arith.constant 80 : index
      %get3A_560 = tpu.vector_load %arg6[%get3A_559] {strides = array<i32>} : memref<112xf32, #tpu.memory_space<vmem>>, vector<16xf32>,
      %get3A_561 = arith.constant 81 : index
      %get3A_562 = tpu.vector_load %arg6[%get3A_561] {strides = array<i32>} : memref<112xf32, #tpu.memory_space<vmem>>, vector<16xf32>,
      %add3A_563 = arith.addf %get3A_560, %get3A_562 : vector<16xf32>
      %get3A_564 = arith.constant 82 : index
      %get3A_565 = tpu.vector_load %arg6[%get3A_564] {strides = array<i32>} : memref<112xf32, #tpu.memory_space<vmem>>, vector<16xf32>,
      %add3A_566 = arith.addf %add3A_563, %get3A_565 : vector<16xf32>
      %mul3A_567 = vector.broadcast %scan3A_63 : f32 to vector<16xf32>
      %mul3A_568 = arith.mulf %add3A_566, %mul3A_567 : vector<16xf32>
      %mul3A_569 = vector.broadcast %select_n3A_18 : f32 to vector<16xf32>
      %mul3A_570 = arith.mulf %mul3A_568, %mul3A_569 : vector<16xf32>
      %swap3A_571 = arith.constant 25809 : index
      %swap3A_572 = tpu.vector_load %arg5[%swap3A_571] {strides = array<i32>} : memref<26624xf32, #tpu.memory_space<vmem>>, vector<16xf32>,
      tpu.vector_store %arg5[%swap3A_571], %mul3A_570 {strides = array<i32>} : memref<26624xf32, #tpu.memory_space<vmem>>, vector<16xf32>,
      %scan3A_573 = arith.constant 0 : i32
      %scan3A_574 = arith.constant 0 : i32
      %scan3A_575 = arith.constant 96 : i32
      %scan3A_576 = arith.addi %scan3A_574, %scan3A_575 : i32
      %scan3A_577 = arith.constant 4 : i32
      scf.for %scan3A_579 = %scan3A_574 to %scan3A_576 step %scan3A_577  : i32 {
        %mul3A_580 = arith.constant 96 : i32
        %mul3A_581 = arith.muli %scan3A_579, %mul3A_580 : i32
        %add3A_582 = arith.constant 9216 : i32
        %add3A_583 = arith.addi %add3A_582, %mul3A_581 : i32
        %add3A_584 = arith.constant 1 : i32
        %add3A_585 = arith.addi %scan3A_579, %add3A_584 : i32
        %mul3A_586 = arith.constant 128 : i32
        %mul3A_587 = arith.muli %add3A_585, %mul3A_586 : i32
        %add3A_588 = arith.constant 13312 : i32
        %add3A_589 = arith.addi %add3A_588, %mul3A_587 : i32
        %add3A_590 = arith.constant 96 : i32
        %add3A_591 = arith.addi %add3A_583, %add3A_590 : i32
        %sub3A = arith.constant 18 : i32
        %sub3A_592 = arith.subi %add3A_591, %sub3A : i32
        %get3A_593 = arith.index_cast %sub3A_592 : i32 to index
        %get3A_594 = tpu.vector_load %arg4[%get3A_593] {strides = array<i32>} : memref<18432xf32, #tpu.memory_space<vmem>>, vector<16xf32>,
        %add3A_595 = arith.constant 96 : i32
        %add3A_596 = arith.addi %add3A_583, %add3A_595 : i32
        %sub3A_597 = arith.constant 17 : i32
        %sub3A_598 = arith.subi %add3A_596, %sub3A_597 : i32
        %get3A_599 = arith.index_cast %sub3A_598 : i32 to index
        %get3A_600 = tpu.vector_load %arg4[%get3A_599] {strides = array<i32>} : memref<18432xf32, #tpu.memory_space<vmem>>, vector<16xf32>,
        %add3A_601 = arith.constant 96 : i32
        %add3A_602 = arith.addi %add3A_583, %add3A_601 : i32
        %sub3A_603 = arith.constant 16 : i32
        %sub3A_604 = arith.subi %add3A_602, %sub3A_603 : i32
        %get3A_605 = arith.index_cast %sub3A_604 : i32 to index
        %get3A_606 = tpu.vector_load %arg4[%get3A_605] {strides = array<i32>} : memref<18432xf32, #tpu.memory_space<vmem>>, vector<16xf32>,
        %add3A_607 = arith.addf %get3A_594, %get3A_600 : vector<16xf32>
        %add3A_608 = arith.addf %add3A_607, %get3A_606 : vector<16xf32>
        %mul3A_609 = vector.broadcast %scan3A_63 : f32 to vector<16xf32>
        %mul3A_610 = arith.mulf %add3A_608, %mul3A_609 : vector<16xf32>
        %mul3A_611 = vector.broadcast %select_n3A_60 : f32 to vector<16xf32>
        %mul3A_612 = arith.mulf %mul3A_610, %mul3A_611 : vector<16xf32>
        %add3A_613 = arith.constant 82 : i32
        %add3A_614 = arith.addi %add3A_589, %add3A_613 : i32
        %swap3A_615 = arith.index_cast %add3A_614 : i32 to index
        %swap3A_616 = tpu.vector_load %arg5[%swap3A_615] {strides = array<i32>} : memref<26624xf32, #tpu.memory_space<vmem>>, vector<16xf32>,
        tpu.vector_store %arg5[%swap3A_615], %mul3A_612 {strides = array<i32>} : memref<26624xf32, #tpu.memory_space<vmem>>, vector<16xf32>,
        %get3A_617 = arith.index_cast %add3A_583 : i32 to index
        %get3A_618 = tpu.vector_load %arg4[%get3A_617] {strides = array<i32>} : memref<18432xf32, #tpu.memory_space<vmem>>, vector<16xf32>,
        %add3A_619 = arith.constant 1 : i32
        %add3A_620 = arith.addi %add3A_583, %add3A_619 : i32
        %get3A_621 = arith.index_cast %add3A_620 : i32 to index
        %get3A_622 = tpu.vector_load %arg4[%get3A_621] {strides = array<i32>} : memref<18432xf32, #tpu.memory_space<vmem>>, vector<16xf32>,
        %add3A_623 = arith.constant 2 : i32
        %add3A_624 = arith.addi %add3A_583, %add3A_623 : i32
        %get3A_625 = arith.index_cast %add3A_624 : i32 to index
        %get3A_626 = tpu.vector_load %arg4[%get3A_625] {strides = array<i32>} : memref<18432xf32, #tpu.memory_space<vmem>>, vector<16xf32>,
        %add3A_627 = arith.addf %get3A_618, %get3A_622 : vector<16xf32>
        %add3A_628 = arith.addf %add3A_627, %get3A_626 : vector<16xf32>
        %mul3A_629 = vector.broadcast %scan3A_63 : f32 to vector<16xf32>
        %mul3A_630 = arith.mulf %add3A_628, %mul3A_629 : vector<16xf32>
        %mul3A_631 = vector.broadcast %select_n3A_39 : f32 to vector<16xf32>
        %mul3A_632 = arith.mulf %mul3A_630, %mul3A_631 : vector<16xf32>
        %swap3A_633 = arith.index_cast %add3A_589 : i32 to index
        %swap3A_634 = tpu.vector_load %arg5[%swap3A_633] {strides = array<i32>} : memref<26624xf32, #tpu.memory_space<vmem>>, vector<16xf32>,
        tpu.vector_store %arg5[%swap3A_633], %mul3A_632 {strides = array<i32>} : memref<26624xf32, #tpu.memory_space<vmem>>, vector<16xf32>,
        %add3A_635 = arith.constant 1 : i32
        %add3A_636 = arith.addi %add3A_589, %add3A_635 : i32
        %swap3A_637 = arith.index_cast %add3A_636 : i32 to index
        %swap3A_638 = tpu.vector_load %arg5[%swap3A_637] {strides = array<i32>} : memref<26624xf32, #tpu.memory_space<vmem>>, vector<16xf32>,
        tpu.vector_store %arg5[%swap3A_637], %get3A_618 {strides = array<i32>} : memref<26624xf32, #tpu.memory_space<vmem>>, vector<16xf32>,
        %add3A_639 = arith.constant 16 : i32
        %add3A_640 = arith.addi %add3A_583, %add3A_639 : i32
        %get3A_641 = arith.index_cast %add3A_640 : i32 to index
        %get3A_642 = tpu.vector_load %arg4[%get3A_641] {strides = array<i32>} : memref<18432xf32, #tpu.memory_space<vmem>>, vector<16xf32>,
        %add3A_643 = arith.constant 1 : i32
        %add3A_644 = arith.addi %add3A_589, %add3A_643 : i32
        %add3A_645 = arith.constant 16 : i32
        %add3A_646 = arith.addi %add3A_644, %add3A_645 : i32
        %swap3A_647 = arith.index_cast %add3A_646 : i32 to index
        %swap3A_648 = tpu.vector_load %arg5[%swap3A_647] {strides = array<i32>} : memref<26624xf32, #tpu.memory_space<vmem>>, vector<16xf32>,
        tpu.vector_store %arg5[%swap3A_647], %get3A_642 {strides = array<i32>} : memref<26624xf32, #tpu.memory_space<vmem>>, vector<16xf32>,
        %add3A_649 = arith.constant 32 : i32
        %add3A_650 = arith.addi %add3A_583, %add3A_649 : i32
        %get3A_651 = arith.index_cast %add3A_650 : i32 to index
        %get3A_652 = tpu.vector_load %arg4[%get3A_651] {strides = array<i32>} : memref<18432xf32, #tpu.memory_space<vmem>>, vector<16xf32>,
        %add3A_653 = arith.constant 1 : i32
        %add3A_654 = arith.addi %add3A_589, %add3A_653 : i32
        %add3A_655 = arith.constant 32 : i32
        %add3A_656 = arith.addi %add3A_654, %add3A_655 : i32
        %swap3A_657 = arith.index_cast %add3A_656 : i32 to index
        %swap3A_658 = tpu.vector_load %arg5[%swap3A_657] {strides = array<i32>} : memref<26624xf32, #tpu.memory_space<vmem>>, vector<16xf32>,
        tpu.vector_store %arg5[%swap3A_657], %get3A_652 {strides = array<i32>} : memref<26624xf32, #tpu.memory_space<vmem>>, vector<16xf32>,
        %add3A_659 = arith.constant 48 : i32
        %add3A_660 = arith.addi %add3A_583, %add3A_659 : i32
        %get3A_661 = arith.index_cast %add3A_660 : i32 to index
        %get3A_662 = tpu.vector_load %arg4[%get3A_661] {strides = array<i32>} : memref<18432xf32, #tpu.memory_space<vmem>>, vector<16xf32>,
        %add3A_663 = arith.constant 1 : i32
        %add3A_664 = arith.addi %add3A_589, %add3A_663 : i32
        %add3A_665 = arith.constant 48 : i32
        %add3A_666 = arith.addi %add3A_664, %add3A_665 : i32
        %swap3A_667 = arith.index_cast %add3A_666 : i32 to index
        %swap3A_668 = tpu.vector_load %arg5[%swap3A_667] {strides = array<i32>} : memref<26624xf32, #tpu.memory_space<vmem>>, vector<16xf32>,
        tpu.vector_store %arg5[%swap3A_667], %get3A_662 {strides = array<i32>} : memref<26624xf32, #tpu.memory_space<vmem>>, vector<16xf32>,
        %add3A_669 = arith.constant 64 : i32
        %add3A_670 = arith.addi %add3A_583, %add3A_669 : i32
        %get3A_671 = arith.index_cast %add3A_670 : i32 to index
        %get3A_672 = tpu.vector_load %arg4[%get3A_671] {strides = array<i32>} : memref<18432xf32, #tpu.memory_space<vmem>>, vector<16xf32>,
        %add3A_673 = arith.constant 1 : i32
        %add3A_674 = arith.addi %add3A_589, %add3A_673 : i32
        %add3A_675 = arith.constant 64 : i32
        %add3A_676 = arith.addi %add3A_674, %add3A_675 : i32
        %swap3A_677 = arith.index_cast %add3A_676 : i32 to index
        %swap3A_678 = tpu.vector_load %arg5[%swap3A_677] {strides = array<i32>} : memref<26624xf32, #tpu.memory_space<vmem>>, vector<16xf32>,
        tpu.vector_store %arg5[%swap3A_677], %get3A_672 {strides = array<i32>} : memref<26624xf32, #tpu.memory_space<vmem>>, vector<16xf32>,
        %add3A_679 = arith.constant 80 : i32
        %add3A_680 = arith.addi %add3A_583, %add3A_679 : i32
        %get3A_681 = arith.index_cast %add3A_680 : i32 to index
        %get3A_682 = tpu.vector_load %arg4[%get3A_681] {strides = array<i32>} : memref<18432xf32, #tpu.memory_space<vmem>>, vector<16xf32>,
        %add3A_683 = arith.constant 1 : i32
        %add3A_684 = arith.addi %add3A_589, %add3A_683 : i32
        %add3A_685 = arith.constant 80 : i32
        %add3A_686 = arith.addi %add3A_684, %add3A_685 : i32
        %swap3A_687 = arith.index_cast %add3A_686 : i32 to index
        %swap3A_688 = tpu.vector_load %arg5[%swap3A_687] {strides = array<i32>} : memref<26624xf32, #tpu.memory_space<vmem>>, vector<16xf32>,
        tpu.vector_store %arg5[%swap3A_687], %get3A_682 {strides = array<i32>} : memref<26624xf32, #tpu.memory_space<vmem>>, vector<16xf32>,
        %scan3A_689 = arith.constant 1 : i32
        %scan3A_690 = arith.addi %scan3A_579, %scan3A_689 : i32
        %mul3A_691 = arith.constant 96 : i32
        %mul3A_692 = arith.muli %scan3A_690, %mul3A_691 : i32
        %add3A_693 = arith.constant 9216 : i32
        %add3A_694 = arith.addi %add3A_693, %mul3A_692 : i32
        %add3A_695 = arith.constant 1 : i32
        %add3A_696 = arith.addi %scan3A_690, %add3A_695 : i32
        %mul3A_697 = arith.constant 128 : i32
        %mul3A_698 = arith.muli %add3A_696, %mul3A_697 : i32
        %add3A_699 = arith.constant 13312 : i32
        %add3A_700 = arith.addi %add3A_699, %mul3A_698 : i32
        %add3A_701 = arith.constant 96 : i32
        %add3A_702 = arith.addi %add3A_694, %add3A_701 : i32
        %sub3A_703 = arith.constant 18 : i32
        %sub3A_704 = arith.subi %add3A_702, %sub3A_703 : i32
        %get3A_705 = arith.index_cast %sub3A_704 : i32 to index
        %get3A_706 = tpu.vector_load %arg4[%get3A_705] {strides = array<i32>} : memref<18432xf32, #tpu.memory_space<vmem>>, vector<16xf32>,
        %add3A_707 = arith.constant 96 : i32
        %add3A_708 = arith.addi %add3A_694, %add3A_707 : i32
        %sub3A_709 = arith.constant 17 : i32
        %sub3A_710 = arith.subi %add3A_708, %sub3A_709 : i32
        %get3A_711 = arith.index_cast %sub3A_710 : i32 to index
        %get3A_712 = tpu.vector_load %arg4[%get3A_711] {strides = array<i32>} : memref<18432xf32, #tpu.memory_space<vmem>>, vector<16xf32>,
        %add3A_713 = arith.constant 96 : i32
        %add3A_714 = arith.addi %add3A_694, %add3A_713 : i32
        %sub3A_715 = arith.constant 16 : i32
        %sub3A_716 = arith.subi %add3A_714, %sub3A_715 : i32
        %get3A_717 = arith.index_cast %sub3A_716 : i32 to index
        %get3A_718 = tpu.vector_load %arg4[%get3A_717] {strides = array<i32>} : memref<18432xf32, #tpu.memory_space<vmem>>, vector<16xf32>,
        %add3A_719 = arith.addf %get3A_706, %get3A_712 : vector<16xf32>
        %add3A_720 = arith.addf %add3A_719, %get3A_718 : vector<16xf32>
        %mul3A_721 = vector.broadcast %scan3A_63 : f32 to vector<16xf32>
        %mul3A_722 = arith.mulf %add3A_720, %mul3A_721 : vector<16xf32>
        %mul3A_723 = vector.broadcast %select_n3A_60 : f32 to vector<16xf32>
        %mul3A_724 = arith.mulf %mul3A_722, %mul3A_723 : vector<16xf32>
        %add3A_725 = arith.constant 82 : i32
        %add3A_726 = arith.addi %add3A_700, %add3A_725 : i32
        %swap3A_727 = arith.index_cast %add3A_726 : i32 to index
        %swap3A_728 = tpu.vector_load %arg5[%swap3A_727] {strides = array<i32>} : memref<26624xf32, #tpu.memory_space<vmem>>, vector<16xf32>,
        tpu.vector_store %arg5[%swap3A_727], %mul3A_724 {strides = array<i32>} : memref<26624xf32, #tpu.memory_space<vmem>>, vector<16xf32>,
        %get3A_729 = arith.index_cast %add3A_694 : i32 to index
        %get3A_730 = tpu.vector_load %arg4[%get3A_729] {strides = array<i32>} : memref<18432xf32, #tpu.memory_space<vmem>>, vector<16xf32>,
        %add3A_731 = arith.constant 1 : i32
        %add3A_732 = arith.addi %add3A_694, %add3A_731 : i32
        %get3A_733 = arith.index_cast %add3A_732 : i32 to index
        %get3A_734 = tpu.vector_load %arg4[%get3A_733] {strides = array<i32>} : memref<18432xf32, #tpu.memory_space<vmem>>, vector<16xf32>,
        %add3A_735 = arith.constant 2 : i32
        %add3A_736 = arith.addi %add3A_694, %add3A_735 : i32
        %get3A_737 = arith.index_cast %add3A_736 : i32 to index
        %get3A_738 = tpu.vector_load %arg4[%get3A_737] {strides = array<i32>} : memref<18432xf32, #tpu.memory_space<vmem>>, vector<16xf32>,
        %add3A_739 = arith.addf %get3A_730, %get3A_734 : vector<16xf32>
        %add3A_740 = arith.addf %add3A_739, %get3A_738 : vector<16xf32>
        %mul3A_741 = vector.broadcast %scan3A_63 : f32 to vector<16xf32>
        %mul3A_742 = arith.mulf %add3A_740, %mul3A_741 : vector<16xf32>
        %mul3A_743 = vector.broadcast %select_n3A_39 : f32 to vector<16xf32>
        %mul3A_744 = arith.mulf %mul3A_742, %mul3A_743 : vector<16xf32>
        %swap3A_745 = arith.index_cast %add3A_700 : i32 to index
        %swap3A_746 = tpu.vector_load %arg5[%swap3A_745] {strides = array<i32>} : memref<26624xf32, #tpu.memory_space<vmem>>, vector<16xf32>,
        tpu.vector_store %arg5[%swap3A_745], %mul3A_744 {strides = array<i32>} : memref<26624xf32, #tpu.memory_space<vmem>>, vector<16xf32>,
        %add3A_747 = arith.constant 1 : i32
        %add3A_748 = arith.addi %add3A_700, %add3A_747 : i32
        %swap3A_749 = arith.index_cast %add3A_748 : i32 to index
        %swap3A_750 = tpu.vector_load %arg5[%swap3A_749] {strides = array<i32>} : memref<26624xf32, #tpu.memory_space<vmem>>, vector<16xf32>,
        tpu.vector_store %arg5[%swap3A_749], %get3A_730 {strides = array<i32>} : memref<26624xf32, #tpu.memory_space<vmem>>, vector<16xf32>,
        %add3A_751 = arith.constant 16 : i32
        %add3A_752 = arith.addi %add3A_694, %add3A_751 : i32
        %get3A_753 = arith.index_cast %add3A_752 : i32 to index
        %get3A_754 = tpu.vector_load %arg4[%get3A_753] {strides = array<i32>} : memref<18432xf32, #tpu.memory_space<vmem>>, vector<16xf32>,
        %add3A_755 = arith.constant 1 : i32
        %add3A_756 = arith.addi %add3A_700, %add3A_755 : i32
        %add3A_757 = arith.constant 16 : i32
        %add3A_758 = arith.addi %add3A_756, %add3A_757 : i32
        %swap3A_759 = arith.index_cast %add3A_758 : i32 to index
        %swap3A_760 = tpu.vector_load %arg5[%swap3A_759] {strides = array<i32>} : memref<26624xf32, #tpu.memory_space<vmem>>, vector<16xf32>,
        tpu.vector_store %arg5[%swap3A_759], %get3A_754 {strides = array<i32>} : memref<26624xf32, #tpu.memory_space<vmem>>, vector<16xf32>,
        %add3A_761 = arith.constant 32 : i32
        %add3A_762 = arith.addi %add3A_694, %add3A_761 : i32
        %get3A_763 = arith.index_cast %add3A_762 : i32 to index
        %get3A_764 = tpu.vector_load %arg4[%get3A_763] {strides = array<i32>} : memref<18432xf32, #tpu.memory_space<vmem>>, vector<16xf32>,
        %add3A_765 = arith.constant 1 : i32
        %add3A_766 = arith.addi %add3A_700, %add3A_765 : i32
        %add3A_767 = arith.constant 32 : i32
        %add3A_768 = arith.addi %add3A_766, %add3A_767 : i32
        %swap3A_769 = arith.index_cast %add3A_768 : i32 to index
        %swap3A_770 = tpu.vector_load %arg5[%swap3A_769] {strides = array<i32>} : memref<26624xf32, #tpu.memory_space<vmem>>, vector<16xf32>,
        tpu.vector_store %arg5[%swap3A_769], %get3A_764 {strides = array<i32>} : memref<26624xf32, #tpu.memory_space<vmem>>, vector<16xf32>,
        %add3A_771 = arith.constant 48 : i32
        %add3A_772 = arith.addi %add3A_694, %add3A_771 : i32
        %get3A_773 = arith.index_cast %add3A_772 : i32 to index
        %get3A_774 = tpu.vector_load %arg4[%get3A_773] {strides = array<i32>} : memref<18432xf32, #tpu.memory_space<vmem>>, vector<16xf32>,
        %add3A_775 = arith.constant 1 : i32
        %add3A_776 = arith.addi %add3A_700, %add3A_775 : i32
        %add3A_777 = arith.constant 48 : i32
        %add3A_778 = arith.addi %add3A_776, %add3A_777 : i32
        %swap3A_779 = arith.index_cast %add3A_778 : i32 to index
        %swap3A_780 = tpu.vector_load %arg5[%swap3A_779] {strides = array<i32>} : memref<26624xf32, #tpu.memory_space<vmem>>, vector<16xf32>,
        tpu.vector_store %arg5[%swap3A_779], %get3A_774 {strides = array<i32>} : memref<26624xf32, #tpu.memory_space<vmem>>, vector<16xf32>,
        %add3A_781 = arith.constant 64 : i32
        %add3A_782 = arith.addi %add3A_694, %add3A_781 : i32
        %get3A_783 = arith.index_cast %add3A_782 : i32 to index
        %get3A_784 = tpu.vector_load %arg4[%get3A_783] {strides = array<i32>} : memref<18432xf32, #tpu.memory_space<vmem>>, vector<16xf32>,
        %add3A_785 = arith.constant 1 : i32
        %add3A_786 = arith.addi %add3A_700, %add3A_785 : i32
        %add3A_787 = arith.constant 64 : i32
        %add3A_788 = arith.addi %add3A_786, %add3A_787 : i32
        %swap3A_789 = arith.index_cast %add3A_788 : i32 to index
        %swap3A_790 = tpu.vector_load %arg5[%swap3A_789] {strides = array<i32>} : memref<26624xf32, #tpu.memory_space<vmem>>, vector<16xf32>,
        tpu.vector_store %arg5[%swap3A_789], %get3A_784 {strides = array<i32>} : memref<26624xf32, #tpu.memory_space<vmem>>, vector<16xf32>,
        %add3A_791 = arith.constant 80 : i32
        %add3A_792 = arith.addi %add3A_694, %add3A_791 : i32
        %get3A_793 = arith.index_cast %add3A_792 : i32 to index
        %get3A_794 = tpu.vector_load %arg4[%get3A_793] {strides = array<i32>} : memref<18432xf32, #tpu.memory_space<vmem>>, vector<16xf32>,
        %add3A_795 = arith.constant 1 : i32
        %add3A_796 = arith.addi %add3A_700, %add3A_795 : i32
        %add3A_797 = arith.constant 80 : i32
        %add3A_798 = arith.addi %add3A_796, %add3A_797 : i32
        %swap3A_799 = arith.index_cast %add3A_798 : i32 to index
        %swap3A_800 = tpu.vector_load %arg5[%swap3A_799] {strides = array<i32>} : memref<26624xf32, #tpu.memory_space<vmem>>, vector<16xf32>,
        tpu.vector_store %arg5[%swap3A_799], %get3A_794 {strides = array<i32>} : memref<26624xf32, #tpu.memory_space<vmem>>, vector<16xf32>,
        %scan3A_801 = arith.constant 2 : i32
        %scan3A_802 = arith.addi %scan3A_579, %scan3A_801 : i32
        %mul3A_803 = arith.constant 96 : i32
        %mul3A_804 = arith.muli %scan3A_802, %mul3A_803 : i32
        %add3A_805 = arith.constant 9216 : i32
        %add3A_806 = arith.addi %add3A_805, %mul3A_804 : i32
        %add3A_807 = arith.constant 1 : i32
        %add3A_808 = arith.addi %scan3A_802, %add3A_807 : i32
        %mul3A_809 = arith.constant 128 : i32
        %mul3A_810 = arith.muli %add3A_808, %mul3A_809 : i32
        %add3A_811 = arith.constant 13312 : i32
        %add3A_812 = arith.addi %add3A_811, %mul3A_810 : i32
        %add3A_813 = arith.constant 96 : i32
        %add3A_814 = arith.addi %add3A_806, %add3A_813 : i32
        %sub3A_815 = arith.constant 18 : i32
        %sub3A_816 = arith.subi %add3A_814, %sub3A_815 : i32
        %get3A_817 = arith.index_cast %sub3A_816 : i32 to index
        %get3A_818 = tpu.vector_load %arg4[%get3A_817] {strides = array<i32>} : memref<18432xf32, #tpu.memory_space<vmem>>, vector<16xf32>,
        %add3A_819 = arith.constant 96 : i32
        %add3A_820 = arith.addi %add3A_806, %add3A_819 : i32
        %sub3A_821 = arith.constant 17 : i32
        %sub3A_822 = arith.subi %add3A_820, %sub3A_821 : i32
        %get3A_823 = arith.index_cast %sub3A_822 : i32 to index
        %get3A_824 = tpu.vector_load %arg4[%get3A_823] {strides = array<i32>} : memref<18432xf32, #tpu.memory_space<vmem>>, vector<16xf32>,
        %add3A_825 = arith.constant 96 : i32
        %add3A_826 = arith.addi %add3A_806, %add3A_825 : i32
        %sub3A_827 = arith.constant 16 : i32
        %sub3A_828 = arith.subi %add3A_826, %sub3A_827 : i32
        %get3A_829 = arith.index_cast %sub3A_828 : i32 to index
        %get3A_830 = tpu.vector_load %arg4[%get3A_829] {strides = array<i32>} : memref<18432xf32, #tpu.memory_space<vmem>>, vector<16xf32>,
        %add3A_831 = arith.addf %get3A_818, %get3A_824 : vector<16xf32>
        %add3A_832 = arith.addf %add3A_831, %get3A_830 : vector<16xf32>
        %mul3A_833 = vector.broadcast %scan3A_63 : f32 to vector<16xf32>
        %mul3A_834 = arith.mulf %add3A_832, %mul3A_833 : vector<16xf32>
        %mul3A_835 = vector.broadcast %select_n3A_60 : f32 to vector<16xf32>
        %mul3A_836 = arith.mulf %mul3A_834, %mul3A_835 : vector<16xf32>
        %add3A_837 = arith.constant 82 : i32
        %add3A_838 = arith.addi %add3A_812, %add3A_837 : i32
        %swap3A_839 = arith.index_cast %add3A_838 : i32 to index
        %swap3A_840 = tpu.vector_load %arg5[%swap3A_839] {strides = array<i32>} : memref<26624xf32, #tpu.memory_space<vmem>>, vector<16xf32>,
        tpu.vector_store %arg5[%swap3A_839], %mul3A_836 {strides = array<i32>} : memref<26624xf32, #tpu.memory_space<vmem>>, vector<16xf32>,
        %get3A_841 = arith.index_cast %add3A_806 : i32 to index
        %get3A_842 = tpu.vector_load %arg4[%get3A_841] {strides = array<i32>} : memref<18432xf32, #tpu.memory_space<vmem>>, vector<16xf32>,
        %add3A_843 = arith.constant 1 : i32
        %add3A_844 = arith.addi %add3A_806, %add3A_843 : i32
        %get3A_845 = arith.index_cast %add3A_844 : i32 to index
        %get3A_846 = tpu.vector_load %arg4[%get3A_845] {strides = array<i32>} : memref<18432xf32, #tpu.memory_space<vmem>>, vector<16xf32>,
        %add3A_847 = arith.constant 2 : i32
        %add3A_848 = arith.addi %add3A_806, %add3A_847 : i32
        %get3A_849 = arith.index_cast %add3A_848 : i32 to index
        %get3A_850 = tpu.vector_load %arg4[%get3A_849] {strides = array<i32>} : memref<18432xf32, #tpu.memory_space<vmem>>, vector<16xf32>,
        %add3A_851 = arith.addf %get3A_842, %get3A_846 : vector<16xf32>
        %add3A_852 = arith.addf %add3A_851, %get3A_850 : vector<16xf32>
        %mul3A_853 = vector.broadcast %scan3A_63 : f32 to vector<16xf32>
        %mul3A_854 = arith.mulf %add3A_852, %mul3A_853 : vector<16xf32>
        %mul3A_855 = vector.broadcast %select_n3A_39 : f32 to vector<16xf32>
        %mul3A_856 = arith.mulf %mul3A_854, %mul3A_855 : vector<16xf32>
        %swap3A_857 = arith.index_cast %add3A_812 : i32 to index
        %swap3A_858 = tpu.vector_load %arg5[%swap3A_857] {strides = array<i32>} : memref<26624xf32, #tpu.memory_space<vmem>>, vector<16xf32>,
        tpu.vector_store %arg5[%swap3A_857], %mul3A_856 {strides = array<i32>} : memref<26624xf32, #tpu.memory_space<vmem>>, vector<16xf32>,
        %add3A_859 = arith.constant 1 : i32
        %add3A_860 = arith.addi %add3A_812, %add3A_859 : i32
        %swap3A_861 = arith.index_cast %add3A_860 : i32 to index
        %swap3A_862 = tpu.vector_load %arg5[%swap3A_861] {strides = array<i32>} : memref<26624xf32, #tpu.memory_space<vmem>>, vector<16xf32>,
        tpu.vector_store %arg5[%swap3A_861], %get3A_842 {strides = array<i32>} : memref<26624xf32, #tpu.memory_space<vmem>>, vector<16xf32>,
        %add3A_863 = arith.constant 16 : i32
        %add3A_864 = arith.addi %add3A_806, %add3A_863 : i32
        %get3A_865 = arith.index_cast %add3A_864 : i32 to index
        %get3A_866 = tpu.vector_load %arg4[%get3A_865] {strides = array<i32>} : memref<18432xf32, #tpu.memory_space<vmem>>, vector<16xf32>,
        %add3A_867 = arith.constant 1 : i32
        %add3A_868 = arith.addi %add3A_812, %add3A_867 : i32
        %add3A_869 = arith.constant 16 : i32
        %add3A_870 = arith.addi %add3A_868, %add3A_869 : i32
        %swap3A_871 = arith.index_cast %add3A_870 : i32 to index
        %swap3A_872 = tpu.vector_load %arg5[%swap3A_871] {strides = array<i32>} : memref<26624xf32, #tpu.memory_space<vmem>>, vector<16xf32>,
        tpu.vector_store %arg5[%swap3A_871], %get3A_866 {strides = array<i32>} : memref<26624xf32, #tpu.memory_space<vmem>>, vector<16xf32>,
        %add3A_873 = arith.constant 32 : i32
        %add3A_874 = arith.addi %add3A_806, %add3A_873 : i32
        %get3A_875 = arith.index_cast %add3A_874 : i32 to index
        %get3A_876 = tpu.vector_load %arg4[%get3A_875] {strides = array<i32>} : memref<18432xf32, #tpu.memory_space<vmem>>, vector<16xf32>,
        %add3A_877 = arith.constant 1 : i32
        %add3A_878 = arith.addi %add3A_812, %add3A_877 : i32
        %add3A_879 = arith.constant 32 : i32
        %add3A_880 = arith.addi %add3A_878, %add3A_879 : i32
        %swap3A_881 = arith.index_cast %add3A_880 : i32 to index
        %swap3A_882 = tpu.vector_load %arg5[%swap3A_881] {strides = array<i32>} : memref<26624xf32, #tpu.memory_space<vmem>>, vector<16xf32>,
        tpu.vector_store %arg5[%swap3A_881], %get3A_876 {strides = array<i32>} : memref<26624xf32, #tpu.memory_space<vmem>>, vector<16xf32>,
        %add3A_883 = arith.constant 48 : i32
        %add3A_884 = arith.addi %add3A_806, %add3A_883 : i32
        %get3A_885 = arith.index_cast %add3A_884 : i32 to index
        %get3A_886 = tpu.vector_load %arg4[%get3A_885] {strides = array<i32>} : memref<18432xf32, #tpu.memory_space<vmem>>, vector<16xf32>,
        %add3A_887 = arith.constant 1 : i32
        %add3A_888 = arith.addi %add3A_812, %add3A_887 : i32
        %add3A_889 = arith.constant 48 : i32
        %add3A_890 = arith.addi %add3A_888, %add3A_889 : i32
        %swap3A_891 = arith.index_cast %add3A_890 : i32 to index
        %swap3A_892 = tpu.vector_load %arg5[%swap3A_891] {strides = array<i32>} : memref<26624xf32, #tpu.memory_space<vmem>>, vector<16xf32>,
        tpu.vector_store %arg5[%swap3A_891], %get3A_886 {strides = array<i32>} : memref<26624xf32, #tpu.memory_space<vmem>>, vector<16xf32>,
        %add3A_893 = arith.constant 64 : i32
        %add3A_894 = arith.addi %add3A_806, %add3A_893 : i32
        %get3A_895 = arith.index_cast %add3A_894 : i32 to index
        %get3A_896 = tpu.vector_load %arg4[%get3A_895] {strides = array<i32>} : memref<18432xf32, #tpu.memory_space<vmem>>, vector<16xf32>,
        %add3A_897 = arith.constant 1 : i32
        %add3A_898 = arith.addi %add3A_812, %add3A_897 : i32
        %add3A_899 = arith.constant 64 : i32
        %add3A_900 = arith.addi %add3A_898, %add3A_899 : i32
        %swap3A_901 = arith.index_cast %add3A_900 : i32 to index
        %swap3A_902 = tpu.vector_load %arg5[%swap3A_901] {strides = array<i32>} : memref<26624xf32, #tpu.memory_space<vmem>>, vector<16xf32>,
        tpu.vector_store %arg5[%swap3A_901], %get3A_896 {strides = array<i32>} : memref<26624xf32, #tpu.memory_space<vmem>>, vector<16xf32>,
        %add3A_903 = arith.constant 80 : i32
        %add3A_904 = arith.addi %add3A_806, %add3A_903 : i32
        %get3A_905 = arith.index_cast %add3A_904 : i32 to index
        %get3A_906 = tpu.vector_load %arg4[%get3A_905] {strides = array<i32>} : memref<18432xf32, #tpu.memory_space<vmem>>, vector<16xf32>,
        %add3A_907 = arith.constant 1 : i32
        %add3A_908 = arith.addi %add3A_812, %add3A_907 : i32
        %add3A_909 = arith.constant 80 : i32
        %add3A_910 = arith.addi %add3A_908, %add3A_909 : i32
        %swap3A_911 = arith.index_cast %add3A_910 : i32 to index
        %swap3A_912 = tpu.vector_load %arg5[%swap3A_911] {strides = array<i32>} : memref<26624xf32, #tpu.memory_space<vmem>>, vector<16xf32>,
        tpu.vector_store %arg5[%swap3A_911], %get3A_906 {strides = array<i32>} : memref<26624xf32, #tpu.memory_space<vmem>>, vector<16xf32>,
        %scan3A_913 = arith.constant 3 : i32
        %scan3A_914 = arith.addi %scan3A_579, %scan3A_913 : i32
        %mul3A_915 = arith.constant 96 : i32
        %mul3A_916 = arith.muli %scan3A_914, %mul3A_915 : i32
        %add3A_917 = arith.constant 9216 : i32
        %add3A_918 = arith.addi %add3A_917, %mul3A_916 : i32
        %add3A_919 = arith.constant 1 : i32
        %add3A_920 = arith.addi %scan3A_914, %add3A_919 : i32
        %mul3A_921 = arith.constant 128 : i32
        %mul3A_922 = arith.muli %add3A_920, %mul3A_921 : i32
        %add3A_923 = arith.constant 13312 : i32
        %add3A_924 = arith.addi %add3A_923, %mul3A_922 : i32
        %add3A_925 = arith.constant 96 : i32
        %add3A_926 = arith.addi %add3A_918, %add3A_925 : i32
        %sub3A_927 = arith.constant 18 : i32
        %sub3A_928 = arith.subi %add3A_926, %sub3A_927 : i32
        %get3A_929 = arith.index_cast %sub3A_928 : i32 to index
        %get3A_930 = tpu.vector_load %arg4[%get3A_929] {strides = array<i32>} : memref<18432xf32, #tpu.memory_space<vmem>>, vector<16xf32>,
        %add3A_931 = arith.constant 96 : i32
        %add3A_932 = arith.addi %add3A_918, %add3A_931 : i32
        %sub3A_933 = arith.constant 17 : i32
        %sub3A_934 = arith.subi %add3A_932, %sub3A_933 : i32
        %get3A_935 = arith.index_cast %sub3A_934 : i32 to index
        %get3A_936 = tpu.vector_load %arg4[%get3A_935] {strides = array<i32>} : memref<18432xf32, #tpu.memory_space<vmem>>, vector<16xf32>,
        %add3A_937 = arith.constant 96 : i32
        %add3A_938 = arith.addi %add3A_918, %add3A_937 : i32
        %sub3A_939 = arith.constant 16 : i32
        %sub3A_940 = arith.subi %add3A_938, %sub3A_939 : i32
        %get3A_941 = arith.index_cast %sub3A_940 : i32 to index
        %get3A_942 = tpu.vector_load %arg4[%get3A_941] {strides = array<i32>} : memref<18432xf32, #tpu.memory_space<vmem>>, vector<16xf32>,
        %add3A_943 = arith.addf %get3A_930, %get3A_936 : vector<16xf32>
        %add3A_944 = arith.addf %add3A_943, %get3A_942 : vector<16xf32>
        %mul3A_945 = vector.broadcast %scan3A_63 : f32 to vector<16xf32>
        %mul3A_946 = arith.mulf %add3A_944, %mul3A_945 : vector<16xf32>
        %mul3A_947 = vector.broadcast %select_n3A_60 : f32 to vector<16xf32>
        %mul3A_948 = arith.mulf %mul3A_946, %mul3A_947 : vector<16xf32>
        %add3A_949 = arith.constant 82 : i32
        %add3A_950 = arith.addi %add3A_924, %add3A_949 : i32
        %swap3A_951 = arith.index_cast %add3A_950 : i32 to index
        %swap3A_952 = tpu.vector_load %arg5[%swap3A_951] {strides = array<i32>} : memref<26624xf32, #tpu.memory_space<vmem>>, vector<16xf32>,
        tpu.vector_store %arg5[%swap3A_951], %mul3A_948 {strides = array<i32>} : memref<26624xf32, #tpu.memory_space<vmem>>, vector<16xf32>,
        %get3A_953 = arith.index_cast %add3A_918 : i32 to index
        %get3A_954 = tpu.vector_load %arg4[%get3A_953] {strides = array<i32>} : memref<18432xf32, #tpu.memory_space<vmem>>, vector<16xf32>,
        %add3A_955 = arith.constant 1 : i32
        %add3A_956 = arith.addi %add3A_918, %add3A_955 : i32
        %get3A_957 = arith.index_cast %add3A_956 : i32 to index
        %get3A_958 = tpu.vector_load %arg4[%get3A_957] {strides = array<i32>} : memref<18432xf32, #tpu.memory_space<vmem>>, vector<16xf32>,
        %add3A_959 = arith.constant 2 : i32
        %add3A_960 = arith.addi %add3A_918, %add3A_959 : i32
        %get3A_961 = arith.index_cast %add3A_960 : i32 to index
        %get3A_962 = tpu.vector_load %arg4[%get3A_961] {strides = array<i32>} : memref<18432xf32, #tpu.memory_space<vmem>>, vector<16xf32>,
        %add3A_963 = arith.addf %get3A_954, %get3A_958 : vector<16xf32>
        %add3A_964 = arith.addf %add3A_963, %get3A_962 : vector<16xf32>
        %mul3A_965 = vector.broadcast %scan3A_63 : f32 to vector<16xf32>
        %mul3A_966 = arith.mulf %add3A_964, %mul3A_965 : vector<16xf32>
        %mul3A_967 = vector.broadcast %select_n3A_39 : f32 to vector<16xf32>
        %mul3A_968 = arith.mulf %mul3A_966, %mul3A_967 : vector<16xf32>
        %swap3A_969 = arith.index_cast %add3A_924 : i32 to index
        %swap3A_970 = tpu.vector_load %arg5[%swap3A_969] {strides = array<i32>} : memref<26624xf32, #tpu.memory_space<vmem>>, vector<16xf32>,
        tpu.vector_store %arg5[%swap3A_969], %mul3A_968 {strides = array<i32>} : memref<26624xf32, #tpu.memory_space<vmem>>, vector<16xf32>,
        %add3A_971 = arith.constant 1 : i32
        %add3A_972 = arith.addi %add3A_924, %add3A_971 : i32
        %swap3A_973 = arith.index_cast %add3A_972 : i32 to index
        %swap3A_974 = tpu.vector_load %arg5[%swap3A_973] {strides = array<i32>} : memref<26624xf32, #tpu.memory_space<vmem>>, vector<16xf32>,
        tpu.vector_store %arg5[%swap3A_973], %get3A_954 {strides = array<i32>} : memref<26624xf32, #tpu.memory_space<vmem>>, vector<16xf32>,
        %add3A_975 = arith.constant 16 : i32
        %add3A_976 = arith.addi %add3A_918, %add3A_975 : i32
        %get3A_977 = arith.index_cast %add3A_976 : i32 to index
        %get3A_978 = tpu.vector_load %arg4[%get3A_977] {strides = array<i32>} : memref<18432xf32, #tpu.memory_space<vmem>>, vector<16xf32>,
        %add3A_979 = arith.constant 1 : i32
        %add3A_980 = arith.addi %add3A_924, %add3A_979 : i32
        %add3A_981 = arith.constant 16 : i32
        %add3A_982 = arith.addi %add3A_980, %add3A_981 : i32
        %swap3A_983 = arith.index_cast %add3A_982 : i32 to index
        %swap3A_984 = tpu.vector_load %arg5[%swap3A_983] {strides = array<i32>} : memref<26624xf32, #tpu.memory_space<vmem>>, vector<16xf32>,
        tpu.vector_store %arg5[%swap3A_983], %get3A_978 {strides = array<i32>} : memref<26624xf32, #tpu.memory_space<vmem>>, vector<16xf32>,
        %add3A_985 = arith.constant 32 : i32
        %add3A_986 = arith.addi %add3A_918, %add3A_985 : i32
        %get3A_987 = arith.index_cast %add3A_986 : i32 to index
        %get3A_988 = tpu.vector_load %arg4[%get3A_987] {strides = array<i32>} : memref<18432xf32, #tpu.memory_space<vmem>>, vector<16xf32>,
        %add3A_989 = arith.constant 1 : i32
        %add3A_990 = arith.addi %add3A_924, %add3A_989 : i32
        %add3A_991 = arith.constant 32 : i32
        %add3A_992 = arith.addi %add3A_990, %add3A_991 : i32
        %swap3A_993 = arith.index_cast %add3A_992 : i32 to index
        %swap3A_994 = tpu.vector_load %arg5[%swap3A_993] {strides = array<i32>} : memref<26624xf32, #tpu.memory_space<vmem>>, vector<16xf32>,
        tpu.vector_store %arg5[%swap3A_993], %get3A_988 {strides = array<i32>} : memref<26624xf32, #tpu.memory_space<vmem>>, vector<16xf32>,
        %add3A_995 = arith.constant 48 : i32
        %add3A_996 = arith.addi %add3A_918, %add3A_995 : i32
        %get3A_997 = arith.index_cast %add3A_996 : i32 to index
        %get3A_998 = tpu.vector_load %arg4[%get3A_997] {strides = array<i32>} : memref<18432xf32, #tpu.memory_space<vmem>>, vector<16xf32>,
        %add3A_999 = arith.constant 1 : i32
        %add3A_1000 = arith.addi %add3A_924, %add3A_999 : i32
        %add3A_1001 = arith.constant 48 : i32
        %add3A_1002 = arith.addi %add3A_1000, %add3A_1001 : i32
        %swap3A_1003 = arith.index_cast %add3A_1002 : i32 to index
        %swap3A_1004 = tpu.vector_load %arg5[%swap3A_1003] {strides = array<i32>} : memref<26624xf32, #tpu.memory_space<vmem>>, vector<16xf32>,
        tpu.vector_store %arg5[%swap3A_1003], %get3A_998 {strides = array<i32>} : memref<26624xf32, #tpu.memory_space<vmem>>, vector<16xf32>,
        %add3A_1005 = arith.constant 64 : i32
        %add3A_1006 = arith.addi %add3A_918, %add3A_1005 : i32
        %get3A_1007 = arith.index_cast %add3A_1006 : i32 to index
        %get3A_1008 = tpu.vector_load %arg4[%get3A_1007] {strides = array<i32>} : memref<18432xf32, #tpu.memory_space<vmem>>, vector<16xf32>,
        %add3A_1009 = arith.constant 1 : i32
        %add3A_1010 = arith.addi %add3A_924, %add3A_1009 : i32
        %add3A_1011 = arith.constant 64 : i32
        %add3A_1012 = arith.addi %add3A_1010, %add3A_1011 : i32
        %swap3A_1013 = arith.index_cast %add3A_1012 : i32 to index
        %swap3A_1014 = tpu.vector_load %arg5[%swap3A_1013] {strides = array<i32>} : memref<26624xf32, #tpu.memory_space<vmem>>, vector<16xf32>,
        tpu.vector_store %arg5[%swap3A_1013], %get3A_1008 {strides = array<i32>} : memref<26624xf32, #tpu.memory_space<vmem>>, vector<16xf32>,
        %add3A_1015 = arith.constant 80 : i32
        %add3A_1016 = arith.addi %add3A_918, %add3A_1015 : i32
        %get3A_1017 = arith.index_cast %add3A_1016 : i32 to index
        %get3A_1018 = tpu.vector_load %arg4[%get3A_1017] {strides = array<i32>} : memref<18432xf32, #tpu.memory_space<vmem>>, vector<16xf32>,
        %add3A_1019 = arith.constant 1 : i32
        %add3A_1020 = arith.addi %add3A_924, %add3A_1019 : i32
        %add3A_1021 = arith.constant 80 : i32
        %add3A_1022 = arith.addi %add3A_1020, %add3A_1021 : i32
        %swap3A_1023 = arith.index_cast %add3A_1022 : i32 to index
        %swap3A_1024 = tpu.vector_load %arg5[%swap3A_1023] {strides = array<i32>} : memref<26624xf32, #tpu.memory_space<vmem>>, vector<16xf32>,
        tpu.vector_store %arg5[%swap3A_1023], %get3A_1018 {strides = array<i32>} : memref<26624xf32, #tpu.memory_space<vmem>>, vector<16xf32>,
      }
      %scan3A_578 = arith.constant 96 : i32
      "tpu.region"() ({
        %run_scoped3A = tpu.sem_alloc : memref<!tpu.dma_semaphore, #tpu.memory_space<semaphore_mem>>
        %dma_start3A = tpu.memref_slice %arg3[%add3A_79] : memref<40894464xf32, #tpu.memory_space<hbm>> -> memref<26624xf32, #tpu.memory_space<hbm>>
        %dma_start3A_579 = tpu.memref_slice %arg3[%add3A_79] : memref<40894464xf32, #tpu.memory_space<hbm>> -> memref<26624xf32, #tpu.memory_space<hbm>>
        tpu.enqueue_dma source(%arg5 : memref<26624xf32, #tpu.memory_space<vmem>>) target(%dma_start3A_579 : memref<26624xf32, #tpu.memory_space<hbm>>) target_semaphore(%run_scoped3A : memref<!tpu.dma_semaphore, #tpu.memory_space<semaphore_mem>>)
        %dma_wait3A = tpu.memref_slice %arg3[%add3A_79] : memref<40894464xf32, #tpu.memory_space<hbm>> -> memref<26624xf32, #tpu.memory_space<hbm>>
        %dma_wait3A_580 = tpu.memref_slice %arg3[%add3A_79] : memref<40894464xf32, #tpu.memory_space<hbm>> -> memref<26624xf32, #tpu.memory_space<hbm>>
        tpu.wait_dma2 semaphore(%run_scoped3A : memref<!tpu.dma_semaphore, #tpu.memory_space<semaphore_mem>>) src(%arg5 : memref<26624xf32, #tpu.memory_space<vmem>>) dst(%dma_wait3A_580 : memref<26624xf32, #tpu.memory_space<hbm>>)
        tpu.yield
      }) : () -> ()
    }
    %scan3A_68 = arith.constant 48 : i32
    return
  }
}

</mosaic_0001>

<sc_bundles>
// kernel: kernel.3.cloned.1.call-start
scs
__scs_entry_jumppad:
0x0: {  	(pc) =	sbr.rel $0x88, $3  }
0x1: {  	(tag) =	ssettag $0x0;
	lr =	simm.s32 $0x1  }
0x2: {  	[smem:$0x3FA0] =	sst lr;
	_ =	strace $0xD0000000  }
0x3: {  	_ = 	snop  }
0x4: {  	_ = 	snop  }
0x5: {  	_ = 	snop  }
0x6: {  	_ = 	snop  }
0x7: {  	_ = 	snop  }
__scs_overlays_trampoline_lowered:
0x8: {  	[smem:$0x3FAF] =	sst s0  }
0x9: {  	[smem:$0x3FB0] =	sst s1  }
0xa: {  	[smem:$0x3FB1] =	sst s2  }
0xb: {  	[smem:$0x3FB2] =	sst s3  }
0xc: {  	[smem:$0x3FB3] =	sst s4  }
0xd: {  	[smem:$0x3FB4] =	sst s5  }
0xe: {  	[smem:$0x3FB5] =	sst s6  }
0xf: {  	[smem:$0x3FB6] =	sst s7  }
0x10: {  	[smem:$0x3FB7] =	sst s8  }
0x11: {  	[smem:$0x3FB8] =	sst s9;
	s0 =	simm.s32 @!p0 $0x0  }
0x12: {  	s1 =	sld [smem:$0x3F9E];
	s0 =	simm.s32 @p0 $0x1  }
0x13: {  	[smem:$0x3FB9] =	sst s0;
	s0 =	simm.s32 @!p1 $0x0  }
0x14: {  	s2 =	sld [smem:$0x3F9D];
	s0 =	simm.s32 @p1 $0x1  }
0x15: {  	[smem:$0x3FBA] =	sst s0;
	s0 =	simm.s32 @!p2 $0x0  }
0x16: {  	s3 =	sld [smem:$0x3FDB];
	s0 =	simm.s32 @p2 $0x1  }
0x17: {  	s4 =	simm.s32 $0x1BF5;
	[smem:$0x3FBC] =	sst s0  }
0x18: {  	s0 =	sld [smem:$0x3F9F];
	_ =	swait.ge [sflag:s4], $0x0  }
0x19: {  	s7 =	sld [smem:$0x3FA0]  }
0x1a: {  	s8 =	sadd.s32 $0xFFFFE003, lr  }
0x1b: {  	s9 =	sadd.s32 $0xFFFFFEF7, lr;
	s5 =	simm.s32 $0xFFFFFFFF;
	p2 =	slt.u32 s8, $0xFFFFF086  }
0x1c: {  	p1 =	slt.u32 s9, $0xF7A;
	s5 =	simm.s32 @!p2 $0x0  }
0x1d: {  	s5 =	simm.s32 @p1 $0x1;
	p0 =	seq.s32 s7, s2  }
0x1e: {  	s7 =	smul.u32 @!p0 $0xF7A, s2;
	p2 =	seq.s32 @!p0 s5, $0x0  }
0x1f: {  	s9 =	smul.u32 $0xF7A, s1;
	s8 =	simm.s32 @!p0 $0x1BF5;
	p2 =	por !p2, p0  }
0x20: {  	[sflag:s8] =	ssyncset.s32 @!p0 $0xFFFFF086;
	s6 =	sadd.s32 @!p0 s3, s7;
	s7 =	simm.s32 @!p0 $0x108  }
0x21: {  	s3 =	sadd.s32 s3, s9;
	s6 =	sadd.s32 @!p0 $0x88, s6;
	s7 =	simm.s32 @p2 $0x1082  }
0x22: {  	[simem:s7], [sflag:s8] =	dma.local @!p0 [hbm:s6], $0xF7A  }
0x23: {  	s9 =	sor.u32 $0xD0000000, s2;
	s6 =	simm.s32 $0x108;
	_ =	swait.ge @!p0 [sflag:s8], $0x0  }
0x24: {  	s3 =	sadd.s32 $0x88, s3;
	s6 =	simm.s32 @!p1 $0x1082;
	[sflag:s4] =	ssyncset.s32 $0xFFFFF086  }
0x25: {  	[simem:s6], [sflag:s4] =	dma.local [hbm:s3], $0xF7A  }
0x26: {  	[smem:$0x3FA0] =	sst s1;
	(tag) =	ssettag s2;
	_ =	strace s9  }
0x27: {  	s1 =	sld [smem:$0x3FB0]  }
0x28: {  	s2 =	sld [smem:$0x3FB1]  }
0x29: {  	s4 =	sld [smem:$0x3FB3]  }
0x2a: {  	p0 =	seq.s32 s5, $0x0;
	s5 =	sld [smem:$0x3FB4]  }
0x2b: {  	s6 =	sld [smem:$0x3FB5]  }
0x2c: {  	s7 =	sld [smem:$0x3FB6]  }
0x2d: {  	s3 =	simm.s32 $0x108;
	s8 =	sld [smem:$0x3FB7]  }
0x2e: {  	s3 =	simm.s32 @!p0 $0x1082;
	s9 =	sld [smem:$0x3FB8]  }
0x2f: {  	lr =	sadd.s32 s0, s3;
	s0 =	sld [smem:$0x3FAF]  }
0x30: {  	s3 =	sld [smem:$0x3FB2]  }
0x31: {  	[smem:$0x3FBB] =	sst s10  }
0x32: {  	s10 =	sld [smem:$0x3FB9];
	_ =	sdelay $0x3  }
0x33: {  	p0 =	seq.s32 s10, $0x1;
	s10 =	sld [smem:$0x3FBB];
	_ =	sdelay $0x3  }
0x34: {  	[smem:$0x3FBB] =	sst s10  }
0x35: {  	s10 =	sld [smem:$0x3FBA];
	_ =	sdelay $0x3  }
0x36: {  	p1 =	seq.s32 s10, $0x1;
	s10 =	sld [smem:$0x3FBB];
	_ =	sdelay $0x3  }
0x37: {  	[smem:$0x3FBB] =	sst s10  }
0x38: {  	s10 =	sld [smem:$0x3FBC]  }
0x39: {  	_ = 	snop;
	(pc) =	sbr.ind lr, $3  }
0x3a: {  	_ = 	snop  }
0x3b: {  	_ = 	snop  }
0x3c: {  	p2 =	seq.s32 s10, $0x1;
	s10 =	sld [smem:$0x3FBB]  }
0x3d: {  	_ =	shalt  }
0x3e: {  	_ =	shalt  }
0x3f: {  	_ =	shalt  }
0x40: {  	_ =	shalt  }
0x41: {  	_ =	shalt  }
0x42: {  	_ =	shalt  }
0x43: {  	_ =	shalt  }
0x44: {  	_ =	shalt  }
0x45: {  	_ =	shalt  }
0x46: {  	_ =	shalt  }
0x47: {  	_ =	shalt  }
0x48: {  	_ =	shalt  }
0x49: {  	_ =	shalt  }
0x4a: {  	_ =	shalt  }
0x4b: {  	_ =	shalt  }
0x4c: {  	_ =	shalt  }
0x4d: {  	_ =	shalt  }
0x4e: {  	_ =	shalt  }
0x4f: {  	_ =	shalt  }
0x50: {  	_ =	shalt  }
0x51: {  	_ =	shalt  }
0x52: {  	_ =	shalt  }
0x53: {  	_ =	shalt  }
0x54: {  	_ =	shalt  }
0x55: {  	_ =	shalt  }
0x56: {  	_ =	shalt  }
0x57: {  	_ =	shalt  }
0x58: {  	_ =	shalt  }
0x59: {  	_ =	shalt  }
0x5a: {  	_ =	shalt  }
0x5b: {  	_ =	shalt  }
0x5c: {  	_ =	shalt  }
0x5d: {  	_ =	shalt  }
0x5e: {  	_ =	shalt  }
0x5f: {  	_ =	shalt  }
0x60: {  	_ =	shalt  }
0x61: {  	_ =	shalt  }
0x62: {  	_ =	shalt  }
0x63: {  	_ =	shalt  }
0x64: {  	_ =	shalt  }
0x65: {  	_ =	shalt  }
0x66: {  	_ =	shalt  }
0x67: {  	_ =	shalt  }
0x68: {  	_ =	shalt  }
0x69: {  	_ =	shalt  }
0x6a: {  	_ =	shalt  }
0x6b: {  	_ =	shalt  }
0x6c: {  	_ =	shalt  }
0x6d: {  	_ =	shalt  }
0x6e: {  	_ =	shalt  }
0x6f: {  	_ =	shalt  }
0x70: {  	_ =	shalt  }
0x71: {  	_ =	shalt  }
0x72: {  	_ =	shalt  }
0x73: {  	_ =	shalt  }
0x74: {  	_ =	shalt  }
0x75: {  	_ =	shalt  }
0x76: {  	_ =	shalt  }
0x77: {  	_ =	shalt  }
0x78: {  	_ =	shalt  }
0x79: {  	_ =	shalt  }
0x7a: {  	_ =	shalt  }
0x7b: {  	_ =	shalt  }
0x7c: {  	_ =	shalt  }
0x7d: {  	_ =	shalt  }
0x7e: {  	_ =	shalt  }
0x7f: {  	_ =	shalt  }
0x80: {  	_ =	shalt  }
0x81: {  	_ =	shalt  }
0x82: {  	_ =	shalt  }
0x83: {  	_ =	shalt  }
0x84: {  	_ =	shalt  }
0x85: {  	_ =	shalt  }
0x86: {  	_ =	shalt  }
0x87: {  	_ =	shalt  }
.Lfunc_end0:
.L_simem_size_0:
called_computation.1_lowered:
.L_overlay_start_0:
0x88: {  	s2 =	sld [smem:$0x3FD9]  }
0x89: {  	s3 =	sld [smem:$0x3FFE];
	_ =	sdelay $0x1  }
0x8a: {  	s1 =	srdreg.scid  }
0x8b: {  	s0 =	sand.u32 $0x1, s1  }
0x8c: {  	s17 =	sshll.u32 s0, $0xA;
	s2 =	sadd.s32 s3, s2  }
0x8d: {  	s2 =	sadd.s32 s2, s17  }
0x8e: {  	[smem:$0x3FC7] =	sst s2  }
0x8f: {  	_ = 	snop  }
0x90: {  	s2 =	sld [smem:$0x3FD0];
	(tm) =	ssettm $0x1  }
0x91: {  	s18 =	sld [smem:$0x3FFB];
	_ =	sdelay $0x3  }
0x92: {  	_ =	strace s18  }
0x93: {  	s3 =	sld [smem:$0x3FFC];
	_ =	sdelay $0x3  }
0x94: {  	_ =	strace s3  }
0x95: {  	s3 =	sld [smem:$0x3FFD];
	_ =	sdelay $0x3  }
0x96: {  	_ =	strace s3  }
0x97: {  	_ =	strace $0x8FFFFFFF  }
0x98: {  	s19 =	sld [smem:$0x3FDB];
	_ =	sdelay $0x1  }
0x99: {  	s4 =	simm.s32 $_scs_section_size  }
0x9a: {  	s5 =	simm.s32 $_size__tile_overlayer_lowered;
	s6 =	simm.s32 $_tile_overlayer_lowered  }
0x9b: {  	s22 =	simm.s32 $0x1BFF;
	s21 =	sshll.u32 s6, $0x1;
	s3 =	sadd.s32 s4, s19  }
0x9c: {  	s7 =	simm.s32 $0x0;
	s20 =	sshll.u32 s5, $0x1;
	s5 =	sadd.s32 s21, s3  }
0x9d: {  	[timem:s7], [sflag:s22] =	dma.local [hbm:s5], s20  }
0x9e: {  	_ =	swait.ge [sflag:s22], s20  }
0x9f: {  	s4 =	ssub.s32 $0x0, s20;
	[sflag:s22] =	ssyncset.done $0x0  }
0xa0: {  	[sflag:s22] =	ssyncadd.s32 s4;
	_ =	sdelay $0x1  }
0xa1: {  	s23 =	simm.s32 $0x1B8B  }
0xa2: {  	_ =	swait.ge [sflag:s23], $0x1  }
0xa3: {  	[sflag:s23] =	ssyncset.done $0x0  }
0xa4: {  	s25 =	simm.s32 $0x1B8E;
	s24 =	sld [smem:$0x3FFE];
	[sflag:s23] =	ssyncadd.s32 $0xFFFFFFFF  }
0xa5: {  	s26 =	simm.s32 $execute0_lowered;
	[smem:$0x3FD2] =	sst s25  }
0xa6: {  	s5 =	sshll.u32 s26, $0x1;
	_ =	strace $0x80000046;
	[dreg:$0x1] =	wrdreg $0xFFFFFFFF  }
0xa7: {  	s28 =	simm.s32 $_size_execute0_lowered;
	s3 =	sadd.s32 s3, s5;
	[dreg:$0x0] =	wrdreg $0x0  }
0xa8: {  	s5 =	sshll.u32 s28, $0x1;
	[dreg:$0x2] =	wrdreg s3  }
0xa9: {  	[dreg:$0x3] =	wrdreg s5  }
0xaa: {  	[dreg:$0x4] =	wrdreg $0xC0  }
0xab: {  	_ =	task [dreg:s7], $0x5FFFF  }
0xac: {  	[dreg:$0x1] =	wrdreg $0xFFFFFFFF  }
0xad: {  	[dreg:$0x0] =	wrdreg $0x60  }
0xae: {  	[dreg:$0x2] =	wrdreg s2  }
0xaf: {  	[dreg:$0x3] =	wrdreg s24  }
0xb0: {  	[dreg:$0x4] =	wrdreg $0x9  }
0xb1: {  	_ =	task.clear_ibuf [dreg:s7], $0x5FFFF;
	_ =	strace $0x90000046  }
0xb2: {  	s29 =	simm.s32 $0x9;
	_ =	strace $0x80000048  }
0xb3: {  	_ =	swait.ge [sflag:s29], $0x1  }
0xb4: {  	[sflag:s29] =	ssyncadd.s32 $0xFFFFFFFF  }
0xb5: {  	_ =	strace $0x90000048  }
0xb6: {  	_ =	sfence  }
0xb7: {  	s30 =	sld [smem:$0x0];
	_ =	sdelay $0x2  }
0xb8: {  	s31 =	sshll.u32 s1, $0xD;
	s1 =	sshrl.u32 s1, $0x2  }
0xb9: {  	s3 =	sand.u32 $0x4000, s31;
	s1 =	sadd.s32 s1, s30  }
0xba: {  	s0 =	sor.u32 s3, s0;
	s1 =	sshll.u32 s1, $0x11  }
0xbb: {  	s0 =	sor.u32 s1, s0  }
0xbc: {  	s0 =	sadd.s32 $0x8F2B, s0  }
0xbd: {  	[sflag:s0] =	ssyncadd.remote.s32 $0x1  }
0xbe: {  	_ =	sfence.sel $0xFFFF  }
0xbf: {  	[dreg:$0x0] =	wrdreg $0xFFFFFFFF;
	(pc) =	sbr.abs _section_cstart, $3  }
0xc0: {  	[dreg:$0x1] =	wrdreg $0xFFFFFFFF  }
0xc1: {  	_ =	task.clear_ibuf [dreg:s7], $0x2FFFF;
	_ =	strace $0x9FFFFFFF  }
0xc2: {  	(tm) =	ssettm $0x7FFFFFFF  }
0xc3: {  	_ =	shalt  }
tec
execute0_lowered:
.L_overlay_start_1:
0x0: {  	(tag) =	ssettag $0x1  }
0x1: {  	s1 =	srdreg.scid;
	s0 =	stileid.u32;
	s7 =	simm.f32 $0.0e+00  }
0x2: {  	s8 =	simm.f32 $0.0e+00;
	s4 =	sand.u32 $0x1, s1;
	s2 =	sshll.u32 s0, $0x1  }
0x3: {  	s9 =	simm.f32 $0.0e+00;
	s6 =	sor.u32 s4, s2;
	s4 =	ssub.s32 $0x2, s4  }
0x4: {  	s10 =	simm.f32 $0.0e+00;
	s3 =	sand.u32 $0xF, s6;
	s14 =	sshrl.u32 s4, $0x1  }
0x5: {  	s2 =	sand.u32 $0x3, s6;
	p0 =	slt.u32 s3, $0x4;
	s14 =	ssub.s32 s4, s14  }
0x6: {  	s4 =	smul.u32 $0x138000, s6;
	s7 =	simm.s32 @!p0 $0x3F800000;
	p0 =	seq.s32 s2, $0x0  }
0x7: {  	s6 =	smul.u32 $0xD8000, s6;
	s8 =	simm.s32 @!p0 $0x3F800000;
	p0 =	seq.s32 s2, $0x3  }
0x8: {  	s9 =	simm.s32 @!p0 $0x3F800000;
	p0 =	sgt.u32 s3, $0xB;
	s12 =	smul.f32 s8, s7  }
0x9: {  	s5 =	rddreg [dreg:$0x1];
	s11 =	smul.f32 s9, s7;
	s10 =	simm.s32 @!p0 $0x3F800000  }
0xa: {  	s1 =	rddreg [dreg:$0x0];
	s3 =	simm.s32 $0x0;
	s13 =	smul.f32 s9, s10  }
0xb: {  	v8 =	vimm.f32 $0.0e+00;
	s5 =	sadd.s32 $0x800, s5;
	v2 =	vmov s7;
	v7 =	vmov s8;
	[smem:$0x7FF] =	sst s3;
	s15 =	smul.f32 s8, s10  }
0xc: {  	s2 =	rddreg [dreg:$0x2];
	s7 =	smax.u32 s14, $0x1;
	v6 =	vmov s9;
	v1 =	vmov s12;
	_ =	strace $0x80000047;
	v5 =	vmov s10  }
0xd: {  	s8 =	simm.s32 $0x1;
	s9 =	simm.s32 $0x4800;
	s10 =	simm.s32 $0x0;
	v0 =	vmov s11;
	v3 =	vmov s13;
	v4 =	vmov s15  }
.LBB2_1:
0xe: {  	[tilespmem:$0xB060] =	vst v8;
	s11 =	simm.s32 $0x0  }
.LBB2_2:
0xf: {  	s12 =	smul.u32 $0x4800, s11;
	_ =	sdelay $0x1  }
0x10: {  	s12 =	sadd.s32 s6, s12  }
0x11: {  	s12 =	sshrl.u32 s12, $0x3  }
0x12: {  	s12 =	sadd.s32 s1, s12  }
0x13: {  	[tilespmem:s3], [sflag:$0x1] =	stream.linear.gather [hbm4b:s12+s3], $0x4800, $0x38;
	[tilespmem:$0xB080] =	vst v63  }
0x14: {  	_ =	swait.ge [sflag:s8], $0x4800  }
0x15: {  	[sflag:s8] =	ssyncset.done $0x0  }
0x16: {  	[sflag:s8] =	ssyncadd.s32 $0xFFFFB800  }
0x17: {  	v9 =	vld [tilespmem:$0x0]  }
0x18: {  	v10 =	vld [tilespmem:$0x10]  }
0x19: {  	v11 =	vld [tilespmem:$0x20]  }
0x1a: {  	v12 =	vld [tilespmem:$0x30]  }
0x1b: {  	v13 =	vld [tilespmem:$0x40]  }
0x1c: {  	v29 =	vld [tilespmem:$0x23A0]  }
0x1d: {  	v30 =	vld [tilespmem:$0x23B0]  }
0x1e: {  	v31 =	vld [tilespmem:$0x23C0]  }
0x1f: {  	v32 =	vld [tilespmem:$0x23D0]  }
0x20: {  	v33 =	vld [tilespmem:$0x23E0]  }
0x21: {  	v61 =	vld [tilespmem:$0x23F0]  }
0x22: {  	[tilespmem:$0xB000] =	vst v9;
	v9 =	vld [tilespmem:$0x50]  }
0x23: {  	v14 =	vld [tilespmem:$0xB000]  }
0x24: {  	[tilespmem:$0xB010] =	vst v10;
	v10 =	vld [tilespmem:$0xB000]  }
0x25: {  	v15 =	vld [tilespmem:$0xB001]  }
0x26: {  	v16 =	vld [tilespmem:$0xB002]  }
0x27: {  	[tilespmem:$0xB020] =	vst v11;
	v11 =	vld [tilespmem:$0xB010]  }
0x28: {  	v17 =	vld [tilespmem:$0xB011]  }
0x29: {  	v18 =	vld [tilespmem:$0xB012]  }
0x2a: {  	[tilespmem:$0xB030] =	vst v12;
	v59 =	vld [tilespmem:$0xB020]  }
0x2b: {  	v19 =	vld [tilespmem:$0xB021]  }
0x2c: {  	v20 =	vld [tilespmem:$0xB022]  }
0x2d: {  	[tilespmem:$0xB040] =	vst v13;
	v60 =	vld [tilespmem:$0xB030]  }
0x2e: {  	v21 =	vld [tilespmem:$0xB031]  }
0x2f: {  	v22 =	vld [tilespmem:$0xB032]  }
0x30: {  	v23 =	vld [tilespmem:$0xB040];
	[tilespmem:$0xB000] =	vst v29  }
0x31: {  	v34 =	vld [tilespmem:$0xB000]  }
0x32: {  	[tilespmem:$0xB010] =	vst v30;
	v62 =	vld [tilespmem:$0xB000]  }
0x33: {  	v35 =	vld [tilespmem:$0xB001]  }
0x34: {  	v36 =	vld [tilespmem:$0xB002]  }
0x35: {  	[tilespmem:$0xB020] =	vst v31;
	v63 =	vld [tilespmem:$0xB010]  }
0x36: {  	v37 =	vld [tilespmem:$0xB011]  }
0x37: {  	v38 =	vld [tilespmem:$0xB012]  }
0x38: {  	[tilespmem:$0xB030] =	vst v32;
	v39 =	vld [tilespmem:$0xB020]  }
0x39: {  	v40 =	vld [tilespmem:$0xB021]  }
0x3a: {  	v41 =	vld [tilespmem:$0xB022]  }
0x3b: {  	v43 =	vld [tilespmem:$0xB030];
	[tilespmem:$0xB050] =	vst v9  }
0x3c: {  	v24 =	vld [tilespmem:$0xB041]  }
0x3d: {  	v25 =	vld [tilespmem:$0xB042]  }
0x3e: {  	v26 =	vld [tilespmem:$0xB050];
	v10 =	vadd.f32 v15, v10  }
0x3f: {  	v9 =	vmul.f32 v9, v0;
	v27 =	vld [tilespmem:$0xB051];
	v11 =	vadd.f32 v17, v11;
	v12 =	vadd.f32 v19, v59  }
0x40: {  	v28 =	vld [tilespmem:$0xB052];
	v13 =	vadd.f32 v21, v60;
	[tilespmem:$0xB040] =	vst v33;
	v14 =	vmul.f32 v14, v1;
	v10 =	vadd.f32 v16, v10  }
0x41: {  	v59 =	vmul.f32 v61, v3;
	v45 =	vld [tilespmem:$0xB031];
	v48 =	vadd.f32 v35, v62;
	v11 =	vadd.f32 v18, v11  }
0x42: {  	[tilespmem:$0xB050] =	vst v61;
	v47 =	vld [tilespmem:$0xB040];
	v12 =	vadd.f32 v20, v12;
	v10 =	vmul.f32 $3.333333430e-01, v10;
	v42 =	vadd.f32 v24, v23  }
0x43: {  	v51 =	vld [tilespmem:$0xB050];
	v61 =	vmul.f32 v34, v4;
	v13 =	vadd.f32 v22, v13;
	v11 =	vmul.f32 $3.333333430e-01, v11  }
0x44: {  	[tilespmem:$0x4852] =	vst v9;
	v52 =	vld [tilespmem:$0xB051];
	v9 =	vmul.f32 v10, v2;
	v10 =	vmul.f32 $3.333333430e-01, v12;
	v19 =	vadd.f32 v25, v42  }
0x45: {  	v49 =	vld [tilespmem:$0xB041];
	[tilespmem:$0x4800] =	vst v14;
	v13 =	vmul.f32 $3.333333430e-01, v13;
	v44 =	vadd.f32 v27, v26;
	v11 =	vmul.f32 v11, v2  }
0x46: {  	v46 =	vld [tilespmem:$0xB032];
	v50 =	vadd.f32 v37, v63;
	[tilespmem:$0x4801] =	vst v9;
	v9 =	vmul.f32 v10, v2;
	v10 =	vmul.f32 $3.333333430e-01, v19  }
0x47: {  	v55 =	vld [tilespmem:$0xB042];
	v16 =	vadd.f32 v40, v39;
	v21 =	vadd.f32 v28, v44;
	[tilespmem:$0x4811] =	vst v11;
	v11 =	vmul.f32 v13, v2  }
0x48: {  	v57 =	vld [tilespmem:$0xB052];
	v56 =	vadd.f32 v38, v50;
	[tilespmem:$0x4821] =	vst v9;
	v9 =	vadd.f32 v36, v48;
	v10 =	vmul.f32 v10, v2  }
0x49: {  	v54 =	vadd.f32 v45, v43;
	v60 =	vadd.f32 v52, v51;
	v53 =	vmul.f32 $3.333333430e-01, v21;
	[tilespmem:$0x4831] =	vst v11  }
0x4a: {  	v11 =	vadd.f32 v41, v16;
	v9 =	vmul.f32 $3.333333430e-01, v9;
	[tilespmem:$0x4841] =	vst v10;
	v10 =	vadd.f32 v49, v47  }
0x4b: {  	[tilespmem:$0x78D2] =	vst v59;
	v12 =	vmul.f32 $3.333333430e-01, v56;
	v58 =	vadd.f32 v46, v54;
	v13 =	vmul.f32 v53, v2  }
0x4c: {  	[tilespmem:$0x7880] =	vst v61;
	v11 =	vmul.f32 $3.333333430e-01, v11;
	v9 =	vmul.f32 v9, v5;
	v10 =	vadd.f32 v55, v10  }
0x4d: {  	v12 =	vmul.f32 v12, v5;
	v62 =	vmul.f32 $3.333333430e-01, v58;
	[tilespmem:$0x4851] =	vst v13;
	v13 =	vadd.f32 v57, v60  }
0x4e: {  	[tilespmem:$0x7881] =	vst v9;
	v9 =	vmul.f32 v11, v5;
	v10 =	vmul.f32 $3.333333430e-01, v10  }
0x4f: {  	[tilespmem:$0x7891] =	vst v12;
	v63 =	vmul.f32 $3.333333430e-01, v13;
	v11 =	vmul.f32 v62, v5  }
0x50: {  	[tilespmem:$0x78A1] =	vst v9;
	v9 =	vmul.f32 v10, v5  }
0x51: {  	[tilespmem:$0x78B1] =	vst v11;
	v10 =	vmul.f32 v63, v5  }
0x52: {  	[tilespmem:$0x78C1] =	vst v9  }
0x53: {  	s12 =	simm.s32 $0xA0;
	[tilespmem:$0x78D1] =	vst v10  }
0x54: {  	v9 =	vld [tilespmem:s12+$0xFFFFFFAF]  }
0x55: {  	v10 =	vld [tilespmem:s12+$0xFFFFFFAE];
	_ =	sdelay $0x1  }
0x56: {  	v11 =	vld [tilespmem:s12+$0xFFFFFFB0];
	_ =	sdelay $0x2  }
0x57: {  	v9 =	vadd.f32 v9, v10;
	_ =	sdelay $0x1  }
0x58: {  	v9 =	vadd.f32 v11, v9;
	_ =	sdelay $0x1  }
0x59: {  	v9 =	vmul.f32 $3.333333430e-01, v9;
	_ =	sdelay $0x1  }
0x5a: {  	v9 =	vmul.f32 v9, v6  }
0x5b: {  	s13 =	simm.s32 $0x4931  }
0x5c: {  	[tilespmem:s13+$0xFFFFFFA1] =	vst v9  }
0x5d: {  	v9 =	vld [tilespmem:s12+$0xFFFFFF60]  }
0x5e: {  	v10 =	vld [tilespmem:s12+$0xFFFFFF61];
	_ =	sdelay $0x1  }
0x5f: {  	v11 =	vld [tilespmem:s12+$0xFFFFFF62];
	_ =	sdelay $0x2  }
0x60: {  	v10 =	vadd.f32 v10, v9;
	_ =	sdelay $0x1  }
0x61: {  	v10 =	vadd.f32 v11, v10;
	_ =	sdelay $0x1  }
0x62: {  	v10 =	vmul.f32 $3.333333430e-01, v10;
	_ =	sdelay $0x1  }
0x63: {  	v10 =	vmul.f32 v10, v7;
	_ =	sdelay $0x1  }
0x64: {  	[tilespmem:s13+$0xFFFFFF4F] =	vst v10  }
0x65: {  	[tilespmem:s13+$0xFFFFFF50] =	vst v9  }
0x66: {  	v9 =	vld [tilespmem:s12+$0xFFFFFF70];
	_ =	sdelay $0x4  }
0x67: {  	[tilespmem:s13+$0xFFFFFF60] =	vst v9  }
0x68: {  	v9 =	vld [tilespmem:s12+$0xFFFFFF80];
	_ =	sdelay $0x4  }
0x69: {  	[tilespmem:s13+$0xFFFFFF70] =	vst v9  }
0x6a: {  	v9 =	vld [tilespmem:s12+$0xFFFFFF90];
	_ =	sdelay $0x4  }
0x6b: {  	[tilespmem:s13+$0xFFFFFF80] =	vst v9  }
0x6c: {  	v9 =	vld [tilespmem:s12+$0xFFFFFFA0];
	_ =	sdelay $0x4  }
0x6d: {  	[tilespmem:s13+$0xFFFFFF90] =	vst v9  }
0x6e: {  	v9 =	vld [tilespmem:s12+$0xFFFFFFB0];
	_ =	sdelay $0x3  }
0x6f: {  	s14 =	simm.s32 $0x60  }
0x70: {  	s15 =	sor.u32 $0x2E, s14;
	[tilespmem:s13+$0xFFFFFFA0] =	vst v9  }
0x71: {  	s30 =	sor.u32 $0x2F, s14;
	v9 =	vld [tilespmem:s15+$0x40]  }
0x72: {  	v10 =	vld [tilespmem:s30+$0x40]  }
0x73: {  	s31 =	sor.u32 $0x30, s14  }
0x74: {  	v11 =	vld [tilespmem:s31+$0x40];
	_ =	sdelay $0x2  }
0x75: {  	v9 =	vadd.f32 v10, v9;
	_ =	sdelay $0x1  }
0x76: {  	v9 =	vadd.f32 v11, v9;
	_ =	sdelay $0x1  }
0x77: {  	v9 =	vmul.f32 $3.333333430e-01, v9;
	_ =	sdelay $0x1  }
0x78: {  	v9 =	vmul.f32 v9, v6;
	_ =	sdelay $0x1  }
0x79: {  	[tilespmem:s13+$0x21] =	vst v9  }
0x7a: {  	s16 =	sor.u32 $0x61, s14;
	v9 =	vld [tilespmem:s12+$0xFFFFFFC0]  }
0x7b: {  	v10 =	vld [tilespmem:s16+$0x0]  }
0x7c: {  	s17 =	sor.u32 $0x62, s14  }
0x7d: {  	v11 =	vld [tilespmem:s17+$0x0];
	_ =	sdelay $0x2  }
0x7e: {  	v10 =	vadd.f32 v10, v9;
	_ =	sdelay $0x1  }
0x7f: {  	v10 =	vadd.f32 v11, v10;
	_ =	sdelay $0x1  }
0x80: {  	v10 =	vmul.f32 $3.333333430e-01, v10;
	_ =	sdelay $0x1  }
0x81: {  	v10 =	vmul.f32 v10, v7;
	_ =	sdelay $0x1  }
0x82: {  	[tilespmem:s13+$0xFFFFFFCF] =	vst v10  }
0x83: {  	s14 =	sor.u32 $0x70, s14;
	[tilespmem:s13+$0xFFFFFFD0] =	vst v9  }
0x84: {  	v9 =	vld [tilespmem:s14+$0x0];
	_ =	sdelay $0x4  }
0x85: {  	[tilespmem:s13+$0xFFFFFFE0] =	vst v9  }
0x86: {  	v9 =	vld [tilespmem:s12+$0xFFFFFFE0];
	_ =	sdelay $0x4  }
0x87: {  	[tilespmem:s13+$0xFFFFFFF0] =	vst v9  }
0x88: {  	v9 =	vld [tilespmem:s12+$0xFFFFFFF0];
	_ =	sdelay $0x4  }
0x89: {  	[tilespmem:s13+$0x0] =	vst v9  }
0x8a: {  	v9 =	vld [tilespmem:s12+$0x0];
	_ =	sdelay $0x4  }
0x8b: {  	[tilespmem:s13+$0x10] =	vst v9  }
0x8c: {  	v9 =	vld [tilespmem:s31+$0x40];
	_ =	sdelay $0x4  }
0x8d: {  	[tilespmem:s13+$0x20] =	vst v9  }
0x8e: {  	v9 =	vld [tilespmem:s12+$0x6E]  }
0x8f: {  	v10 =	vld [tilespmem:s12+$0x6F];
	_ =	sdelay $0x1  }
0x90: {  	v11 =	vld [tilespmem:s12+$0x70];
	_ =	sdelay $0x2  }
0x91: {  	v9 =	vadd.f32 v10, v9;
	_ =	sdelay $0x1  }
0x92: {  	v9 =	vadd.f32 v11, v9;
	_ =	sdelay $0x1  }
0x93: {  	v9 =	vmul.f32 $3.333333430e-01, v9;
	_ =	sdelay $0x1  }
0x94: {  	v9 =	vmul.f32 v9, v6;
	_ =	sdelay $0x1  }
0x95: {  	s18 =	simm.s32 $0xC0;
	[tilespmem:s13+$0xA1] =	vst v9  }
0x96: {  	s19 =	sor.u32 $0x41, s18;
	v9 =	vld [tilespmem:s12+$0x20]  }
0x97: {  	v10 =	vld [tilespmem:s19+$0x0]  }
0x98: {  	s20 =	sor.u32 $0x42, s18  }
0x99: {  	v11 =	vld [tilespmem:s20+$0x0];
	_ =	sdelay $0x2  }
0x9a: {  	v10 =	vadd.f32 v10, v9;
	_ =	sdelay $0x1  }
0x9b: {  	v10 =	vadd.f32 v11, v10;
	_ =	sdelay $0x1  }
0x9c: {  	v10 =	vmul.f32 $3.333333430e-01, v10;
	_ =	sdelay $0x1  }
0x9d: {  	v10 =	vmul.f32 v10, v7;
	_ =	sdelay $0x1  }
0x9e: {  	[tilespmem:s13+$0x4F] =	vst v10  }
0x9f: {  	s21 =	sor.u32 $0x50, s18;
	[tilespmem:s13+$0x50] =	vst v9  }
0xa0: {  	v9 =	vld [tilespmem:s21+$0x0];
	_ =	sdelay $0x4  }
0xa1: {  	s22 =	sor.u32 $0x60, s18;
	[tilespmem:s13+$0x60] =	vst v9  }
0xa2: {  	v9 =	vld [tilespmem:s22+$0x0];
	_ =	sdelay $0x4  }
0xa3: {  	s14 =	sor.u32 $0x70, s18;
	[tilespmem:s13+$0x70] =	vst v9  }
0xa4: {  	v9 =	vld [tilespmem:s14+$0x0];
	_ =	sdelay $0x4  }
0xa5: {  	[tilespmem:s13+$0x80] =	vst v9  }
0xa6: {  	v9 =	vld [tilespmem:s12+$0x60];
	_ =	sdelay $0x4  }
0xa7: {  	[tilespmem:s13+$0x90] =	vst v9  }
0xa8: {  	v9 =	vld [tilespmem:s12+$0x70];
	_ =	sdelay $0x3  }
0xa9: {  	s23 =	simm.s32 $0x120  }
0xaa: {  	s24 =	sor.u32 $0x6E, s23;
	[tilespmem:s13+$0xA0] =	vst v9  }
0xab: {  	s25 =	sor.u32 $0x6F, s23;
	v9 =	vld [tilespmem:s24+$0x0]  }
0xac: {  	v10 =	vld [tilespmem:s25+$0x0]  }
0xad: {  	s17 =	sor.u32 $0x70, s23  }
0xae: {  	v11 =	vld [tilespmem:s17+$0x0];
	_ =	sdelay $0x2  }
0xaf: {  	v9 =	vadd.f32 v10, v9;
	_ =	sdelay $0x1  }
0xb0: {  	v9 =	vadd.f32 v11, v9;
	_ =	sdelay $0x1  }
0xb1: {  	v9 =	vmul.f32 $3.333333430e-01, v9;
	_ =	sdelay $0x1  }
0xb2: {  	v9 =	vmul.f32 v9, v6;
	_ =	sdelay $0x1  }
0xb3: {  	[tilespmem:s13+$0x121] =	vst v9  }
0xb4: {  	s26 =	sor.u32 $0x21, s23;
	v9 =	vld [tilespmem:s12+$0x80]  }
0xb5: {  	v10 =	vld [tilespmem:s26+$0x0]  }
0xb6: {  	s28 =	sor.u32 $0x22, s23  }
0xb7: {  	v11 =	vld [tilespmem:s28+$0x0];
	_ =	sdelay $0x2  }
0xb8: {  	v10 =	vadd.f32 v10, v9;
	_ =	sdelay $0x1  }
0xb9: {  	v10 =	vadd.f32 v11, v10;
	_ =	sdelay $0x1  }
0xba: {  	v10 =	vmul.f32 $3.333333430e-01, v10;
	_ =	sdelay $0x1  }
0xbb: {  	v10 =	vmul.f32 v10, v7;
	_ =	sdelay $0x1  }
0xbc: {  	[tilespmem:s13+$0xCF] =	vst v10  }
0xbd: {  	s29 =	sor.u32 $0x30, s23;
	[tilespmem:s13+$0xD0] =	vst v9  }
0xbe: {  	v9 =	vld [tilespmem:s29+$0x0];
	_ =	sdelay $0x4  }
0xbf: {  	[tilespmem:s13+$0xE0] =	vst v9  }
0xc0: {  	v9 =	vld [tilespmem:s12+$0xA0];
	_ =	sdelay $0x3  }
0xc1: {  	s14 =	simm.s32 $0x140  }
0xc2: {  	s30 =	sor.u32 $0x50, s14;
	[tilespmem:s13+$0xF0] =	vst v9  }
0xc3: {  	v9 =	vld [tilespmem:s30+$0x0];
	_ =	sdelay $0x4  }
0xc4: {  	s31 =	sor.u32 $0x60, s23;
	[tilespmem:s13+$0x100] =	vst v9  }
0xc5: {  	v9 =	vld [tilespmem:s31+$0x0];
	_ =	sdelay $0x1  }
0xc6: {  	s15 =	simm.s32 $0x0;
	s16 =	simm.s32 $0x4B31  }
.LBB2_3:
0xc7: {  	s15 =	sadd.s32 $0x4, s15;
	s14 =	sadd.s32 $0x180, s14;
	s12 =	sadd.s32 $0x180, s12  }
0xc8: {  	p0 =	slt.u32 s15, $0x5C  }
0xc9: {  	[tilespmem:s13+$0x110] =	vst v9  }
0xca: {  	v9 =	vld [tilespmem:s17+$0x0];
	_ =	sdelay $0x4  }
0xcb: {  	[tilespmem:s13+$0x120] =	vst v9;
	s13 =	smov.u32 s16  }
0xcc: {  	v9 =	vld [tilespmem:s12+$0xFFFFFFAF]  }
0xcd: {  	v10 =	vld [tilespmem:s12+$0xFFFFFFAE]  }
0xce: {  	v11 =	vld [tilespmem:s12+$0xFFFFFFB0];
	_ =	sdelay $0x3  }
0xcf: {  	v9 =	vadd.f32 v9, v10;
	_ =	sdelay $0x1  }
0xd0: {  	v9 =	vadd.f32 v11, v9;
	_ =	sdelay $0x1  }
0xd1: {  	v9 =	vmul.f32 $3.333333430e-01, v9;
	_ =	sdelay $0x1  }
0xd2: {  	v9 =	vmul.f32 v9, v6;
	_ =	sdelay $0x1  }
0xd3: {  	[tilespmem:s16+$0xFFFFFFA1] =	vst v9  }
0xd4: {  	v9 =	vld [tilespmem:s12+$0xFFFFFF60]  }
0xd5: {  	v10 =	vld [tilespmem:s12+$0xFFFFFF61];
	_ =	sdelay $0x1  }
0xd6: {  	v11 =	vld [tilespmem:s12+$0xFFFFFF62];
	_ =	sdelay $0x2  }
0xd7: {  	v10 =	vadd.f32 v10, v9;
	_ =	sdelay $0x1  }
0xd8: {  	v10 =	vadd.f32 v11, v10;
	_ =	sdelay $0x1  }
0xd9: {  	v10 =	vmul.f32 $3.333333430e-01, v10;
	_ =	sdelay $0x1  }
0xda: {  	v10 =	vmul.f32 v10, v7;
	_ =	sdelay $0x1  }
0xdb: {  	[tilespmem:s16+$0xFFFFFF4F] =	vst v10  }
0xdc: {  	[tilespmem:s16+$0xFFFFFF50] =	vst v9  }
0xdd: {  	v9 =	vld [tilespmem:s12+$0xFFFFFF70];
	_ =	sdelay $0x4  }
0xde: {  	[tilespmem:s16+$0xFFFFFF60] =	vst v9  }
0xdf: {  	v9 =	vld [tilespmem:s12+$0xFFFFFF80];
	_ =	sdelay $0x4  }
0xe0: {  	[tilespmem:s16+$0xFFFFFF70] =	vst v9  }
0xe1: {  	v9 =	vld [tilespmem:s12+$0xFFFFFF90];
	_ =	sdelay $0x4  }
0xe2: {  	[tilespmem:s16+$0xFFFFFF80] =	vst v9  }
0xe3: {  	v9 =	vld [tilespmem:s12+$0xFFFFFFA0];
	_ =	sdelay $0x4  }
0xe4: {  	[tilespmem:s16+$0xFFFFFF90] =	vst v9  }
0xe5: {  	v9 =	vld [tilespmem:s12+$0xFFFFFFB0];
	_ =	sdelay $0x3  }
0xe6: {  	s18 =	sadd.s32 $0xFFFFFF20, s14  }
0xe7: {  	s17 =	sor.u32 $0x2E, s18;
	[tilespmem:s16+$0xFFFFFFA0] =	vst v9  }
0xe8: {  	v9 =	vld [tilespmem:s17+$0x40];
	s17 =	sor.u32 $0x2F, s18  }
0xe9: {  	v10 =	vld [tilespmem:s17+$0x40]  }
0xea: {  	s17 =	sor.u32 $0x30, s18  }
0xeb: {  	v11 =	vld [tilespmem:s17+$0x40];
	_ =	sdelay $0x2  }
0xec: {  	v9 =	vadd.f32 v10, v9;
	_ =	sdelay $0x1  }
0xed: {  	v9 =	vadd.f32 v11, v9;
	_ =	sdelay $0x1  }
0xee: {  	v9 =	vmul.f32 $3.333333430e-01, v9;
	_ =	sdelay $0x1  }
0xef: {  	v9 =	vmul.f32 v9, v6;
	_ =	sdelay $0x1  }
0xf0: {  	[tilespmem:s16+$0x21] =	vst v9  }
0xf1: {  	s19 =	sor.u32 $0x61, s18;
	v9 =	vld [tilespmem:s12+$0xFFFFFFC0]  }
0xf2: {  	v10 =	vld [tilespmem:s19+$0x0]  }
0xf3: {  	s19 =	sor.u32 $0x62, s18  }
0xf4: {  	v11 =	vld [tilespmem:s19+$0x0];
	_ =	sdelay $0x2  }
0xf5: {  	v10 =	vadd.f32 v10, v9;
	_ =	sdelay $0x1  }
0xf6: {  	v10 =	vadd.f32 v11, v10;
	_ =	sdelay $0x1  }
0xf7: {  	v10 =	vmul.f32 $3.333333430e-01, v10;
	_ =	sdelay $0x1  }
0xf8: {  	v10 =	vmul.f32 v10, v7;
	_ =	sdelay $0x1  }
0xf9: {  	[tilespmem:s16+$0xFFFFFFCF] =	vst v10  }
0xfa: {  	s18 =	sor.u32 $0x70, s18;
	[tilespmem:s16+$0xFFFFFFD0] =	vst v9  }
0xfb: {  	v9 =	vld [tilespmem:s18+$0x0];
	_ =	sdelay $0x4  }
0xfc: {  	[tilespmem:s16+$0xFFFFFFE0] =	vst v9  }
0xfd: {  	v9 =	vld [tilespmem:s12+$0xFFFFFFE0];
	_ =	sdelay $0x4  }
0xfe: {  	[tilespmem:s16+$0xFFFFFFF0] =	vst v9  }
0xff: {  	v9 =	vld [tilespmem:s12+$0xFFFFFFF0];
	_ =	sdelay $0x4  }
0x100: {  	[tilespmem:s16+$0x0] =	vst v9  }
0x101: {  	v9 =	vld [tilespmem:s12+$0x0];
	_ =	sdelay $0x4  }
0x102: {  	[tilespmem:s16+$0x10] =	vst v9  }
0x103: {  	v9 =	vld [tilespmem:s17+$0x40];
	_ =	sdelay $0x4  }
0x104: {  	[tilespmem:s16+$0x20] =	vst v9  }
0x105: {  	v9 =	vld [tilespmem:s12+$0x6E]  }
0x106: {  	v10 =	vld [tilespmem:s12+$0x6F]  }
0x107: {  	v11 =	vld [tilespmem:s12+$0x70];
	_ =	sdelay $0x3  }
0x108: {  	v9 =	vadd.f32 v10, v9;
	_ =	sdelay $0x1  }
0x109: {  	v9 =	vadd.f32 v11, v9;
	_ =	sdelay $0x1  }
0x10a: {  	v9 =	vmul.f32 $3.333333430e-01, v9;
	_ =	sdelay $0x1  }
0x10b: {  	v9 =	vmul.f32 v9, v6;
	_ =	sdelay $0x1  }
0x10c: {  	s17 =	sadd.s32 $0xFFFFFF80, s14;
	[tilespmem:s16+$0xA1] =	vst v9  }
0x10d: {  	s18 =	sor.u32 $0x41, s17;
	v9 =	vld [tilespmem:s12+$0x20]  }
0x10e: {  	v10 =	vld [tilespmem:s18+$0x0];
	s18 =	sor.u32 $0x42, s17  }
0x10f: {  	v11 =	vld [tilespmem:s18+$0x0];
	_ =	sdelay $0x3  }
0x110: {  	v10 =	vadd.f32 v10, v9;
	_ =	sdelay $0x1  }
0x111: {  	v10 =	vadd.f32 v11, v10;
	_ =	sdelay $0x1  }
0x112: {  	v10 =	vmul.f32 $3.333333430e-01, v10;
	_ =	sdelay $0x1  }
0x113: {  	v10 =	vmul.f32 v10, v7;
	_ =	sdelay $0x1  }
0x114: {  	[tilespmem:s16+$0x4F] =	vst v10  }
0x115: {  	s18 =	sor.u32 $0x50, s17;
	[tilespmem:s16+$0x50] =	vst v9  }
0x116: {  	v9 =	vld [tilespmem:s18+$0x0];
	_ =	sdelay $0x4  }
0x117: {  	s18 =	sor.u32 $0x60, s17;
	[tilespmem:s16+$0x60] =	vst v9  }
0x118: {  	v9 =	vld [tilespmem:s18+$0x0];
	_ =	sdelay $0x4  }
0x119: {  	s17 =	sor.u32 $0x70, s17;
	[tilespmem:s16+$0x70] =	vst v9  }
0x11a: {  	v9 =	vld [tilespmem:s17+$0x0];
	_ =	sdelay $0x4  }
0x11b: {  	[tilespmem:s16+$0x80] =	vst v9  }
0x11c: {  	v9 =	vld [tilespmem:s12+$0x60];
	_ =	sdelay $0x4  }
0x11d: {  	[tilespmem:s16+$0x90] =	vst v9  }
0x11e: {  	v9 =	vld [tilespmem:s12+$0x70];
	_ =	sdelay $0x3  }
0x11f: {  	s18 =	sadd.s32 $0xFFFFFFE0, s14  }
0x120: {  	s17 =	sor.u32 $0x6E, s18;
	[tilespmem:s16+$0xA0] =	vst v9  }
0x121: {  	v9 =	vld [tilespmem:s17+$0x0];
	s17 =	sor.u32 $0x6F, s18  }
0x122: {  	v10 =	vld [tilespmem:s17+$0x0];
	s17 =	sor.u32 $0x70, s18  }
0x123: {  	v11 =	vld [tilespmem:s17+$0x0];
	_ =	sdelay $0x3  }
0x124: {  	v9 =	vadd.f32 v10, v9;
	_ =	sdelay $0x1  }
0x125: {  	v9 =	vadd.f32 v11, v9;
	_ =	sdelay $0x1  }
0x126: {  	v9 =	vmul.f32 $3.333333430e-01, v9;
	_ =	sdelay $0x1  }
0x127: {  	v9 =	vmul.f32 v9, v6;
	_ =	sdelay $0x1  }
0x128: {  	[tilespmem:s16+$0x121] =	vst v9  }
0x129: {  	s19 =	sor.u32 $0x21, s18;
	v9 =	vld [tilespmem:s12+$0x80]  }
0x12a: {  	v10 =	vld [tilespmem:s19+$0x0];
	s19 =	sor.u32 $0x22, s18  }
0x12b: {  	v11 =	vld [tilespmem:s19+$0x0];
	_ =	sdelay $0x3  }
0x12c: {  	v10 =	vadd.f32 v10, v9;
	_ =	sdelay $0x1  }
0x12d: {  	v10 =	vadd.f32 v11, v10;
	_ =	sdelay $0x1  }
0x12e: {  	v10 =	vmul.f32 $3.333333430e-01, v10;
	_ =	sdelay $0x1  }
0x12f: {  	v10 =	vmul.f32 v10, v7;
	_ =	sdelay $0x1  }
0x130: {  	s19 =	sor.u32 $0x30, s18;
	[tilespmem:s16+$0xCF] =	vst v10  }
0x131: {  	[tilespmem:s16+$0xD0] =	vst v9  }
0x132: {  	v9 =	vld [tilespmem:s19+$0x0];
	_ =	sdelay $0x4  }
0x133: {  	[tilespmem:s16+$0xE0] =	vst v9  }
0x134: {  	v9 =	vld [tilespmem:s12+$0xA0];
	_ =	sdelay $0x3  }
0x135: {  	s19 =	sor.u32 $0x50, s14  }
0x136: {  	[tilespmem:s16+$0xF0] =	vst v9  }
0x137: {  	v9 =	vld [tilespmem:s19+$0x0];
	_ =	sdelay $0x3  }
.Ltmp0:
0x138: {  	s18 =	sor.u32 $0x60, s18;
	(pc) =	sbr.rel @p0 .LBB2_3-.Ltmp0, $3  }
0x139: {  	[tilespmem:s16+$0x100] =	vst v9  }
0x13a: {  	v9 =	vld [tilespmem:s18+$0x0];
	_ =	sdelay $0x1  }
0x13b: {  	s16 =	sadd.s32 $0x200, s16  }
0x13c: {  	_ =	sdelay $0x1  }
0x13d: {  	[tilespmem:s13+$0x110] =	vst v9  }
0x13e: {  	v9 =	vld [tilespmem:s17+$0x0];
	_ =	sdelay $0x4  }
0x13f: {  	[tilespmem:s13+$0x120] =	vst v9  }
0x140: {  	v9 =	vld [tilespmem:$0x2400]  }
0x141: {  	v10 =	vld [tilespmem:$0x2410]  }
0x142: {  	v11 =	vld [tilespmem:$0x2420]  }
0x143: {  	v12 =	vld [tilespmem:$0x2430]  }
0x144: {  	v13 =	vld [tilespmem:$0x2440]  }
0x145: {  	v29 =	vld [tilespmem:$0x47A0]  }
0x146: {  	v30 =	vld [tilespmem:$0x47B0]  }
0x147: {  	v31 =	vld [tilespmem:$0x47C0]  }
0x148: {  	v32 =	vld [tilespmem:$0x47D0]  }
0x149: {  	v33 =	vld [tilespmem:$0x47E0]  }
0x14a: {  	v61 =	vld [tilespmem:$0x47F0]  }
0x14b: {  	[tilespmem:$0xB000] =	vst v9;
	v9 =	vld [tilespmem:$0x2450]  }
0x14c: {  	v14 =	vld [tilespmem:$0xB000]  }
0x14d: {  	[tilespmem:$0xB010] =	vst v10;
	v10 =	vld [tilespmem:$0xB000]  }
0x14e: {  	v15 =	vld [tilespmem:$0xB001]  }
0x14f: {  	v16 =	vld [tilespmem:$0xB002]  }
0x150: {  	[tilespmem:$0xB020] =	vst v11;
	v11 =	vld [tilespmem:$0xB010]  }
0x151: {  	v17 =	vld [tilespmem:$0xB011]  }
0x152: {  	v18 =	vld [tilespmem:$0xB012]  }
0x153: {  	[tilespmem:$0xB030] =	vst v12;
	v59 =	vld [tilespmem:$0xB020]  }
0x154: {  	v19 =	vld [tilespmem:$0xB021]  }
0x155: {  	v20 =	vld [tilespmem:$0xB022]  }
0x156: {  	[tilespmem:$0xB040] =	vst v13;
	v60 =	vld [tilespmem:$0xB030]  }
0x157: {  	v21 =	vld [tilespmem:$0xB031]  }
0x158: {  	v22 =	vld [tilespmem:$0xB032]  }
0x159: {  	v23 =	vld [tilespmem:$0xB040];
	[tilespmem:$0xB000] =	vst v29  }
0x15a: {  	v34 =	vld [tilespmem:$0xB000]  }
0x15b: {  	[tilespmem:$0xB010] =	vst v30;
	v62 =	vld [tilespmem:$0xB000]  }
0x15c: {  	v35 =	vld [tilespmem:$0xB001]  }
0x15d: {  	v36 =	vld [tilespmem:$0xB002]  }
0x15e: {  	[tilespmem:$0xB020] =	vst v31;
	v63 =	vld [tilespmem:$0xB010]  }
0x15f: {  	v37 =	vld [tilespmem:$0xB011]  }
0x160: {  	v38 =	vld [tilespmem:$0xB012]  }
0x161: {  	[tilespmem:$0xB030] =	vst v32;
	v39 =	vld [tilespmem:$0xB020]  }
0x162: {  	v40 =	vld [tilespmem:$0xB021]  }
0x163: {  	v41 =	vld [tilespmem:$0xB022]  }
0x164: {  	v43 =	vld [tilespmem:$0xB030];
	[tilespmem:$0xB050] =	vst v9  }
0x165: {  	v24 =	vld [tilespmem:$0xB041]  }
0x166: {  	v25 =	vld [tilespmem:$0xB042]  }
0x167: {  	v26 =	vld [tilespmem:$0xB050];
	v10 =	vadd.f32 v15, v10  }
0x168: {  	v9 =	vmul.f32 v9, v0;
	v27 =	vld [tilespmem:$0xB051];
	v11 =	vadd.f32 v17, v11;
	v12 =	vadd.f32 v19, v59  }
0x169: {  	v28 =	vld [tilespmem:$0xB052];
	v13 =	vadd.f32 v21, v60;
	[tilespmem:$0xB040] =	vst v33;
	v14 =	vmul.f32 v14, v1;
	v10 =	vadd.f32 v16, v10  }
0x16a: {  	v59 =	vmul.f32 v61, v3;
	v45 =	vld [tilespmem:$0xB031];
	v48 =	vadd.f32 v35, v62;
	v11 =	vadd.f32 v18, v11  }
0x16b: {  	[tilespmem:$0xB050] =	vst v61;
	v47 =	vld [tilespmem:$0xB040];
	v12 =	vadd.f32 v20, v12;
	v10 =	vmul.f32 $3.333333430e-01, v10;
	v42 =	vadd.f32 v24, v23  }
0x16c: {  	v51 =	vld [tilespmem:$0xB050];
	v61 =	vmul.f32 v34, v4;
	v13 =	vadd.f32 v22, v13;
	v11 =	vmul.f32 $3.333333430e-01, v11  }
0x16d: {  	[tilespmem:$0x7C52] =	vst v9;
	v52 =	vld [tilespmem:$0xB051];
	v9 =	vmul.f32 v10, v2;
	v10 =	vmul.f32 $3.333333430e-01, v12;
	v19 =	vadd.f32 v25, v42  }
0x16e: {  	v49 =	vld [tilespmem:$0xB041];
	[tilespmem:$0x7C00] =	vst v14;
	v13 =	vmul.f32 $3.333333430e-01, v13;
	v44 =	vadd.f32 v27, v26;
	v11 =	vmul.f32 v11, v2  }
0x16f: {  	v46 =	vld [tilespmem:$0xB032];
	v50 =	vadd.f32 v37, v63;
	[tilespmem:$0x7C01] =	vst v9;
	v9 =	vmul.f32 v10, v2;
	v10 =	vmul.f32 $3.333333430e-01, v19  }
0x170: {  	v55 =	vld [tilespmem:$0xB042];
	v16 =	vadd.f32 v40, v39;
	v21 =	vadd.f32 v28, v44;
	[tilespmem:$0x7C11] =	vst v11;
	v11 =	vmul.f32 v13, v2  }
0x171: {  	v57 =	vld [tilespmem:$0xB052];
	v56 =	vadd.f32 v38, v50;
	[tilespmem:$0x7C21] =	vst v9;
	v9 =	vadd.f32 v36, v48;
	v10 =	vmul.f32 v10, v2  }
0x172: {  	v54 =	vadd.f32 v45, v43;
	v60 =	vadd.f32 v52, v51;
	v53 =	vmul.f32 $3.333333430e-01, v21;
	[tilespmem:$0x7C31] =	vst v11  }
0x173: {  	v11 =	vadd.f32 v41, v16;
	v9 =	vmul.f32 $3.333333430e-01, v9;
	[tilespmem:$0x7C41] =	vst v10;
	v10 =	vadd.f32 v49, v47  }
0x174: {  	[tilespmem:$0xACD2] =	vst v59;
	v12 =	vmul.f32 $3.333333430e-01, v56;
	v58 =	vadd.f32 v46, v54;
	v13 =	vmul.f32 v53, v2  }
0x175: {  	[tilespmem:$0xAC80] =	vst v61;
	v11 =	vmul.f32 $3.333333430e-01, v11;
	v9 =	vmul.f32 v9, v5;
	v10 =	vadd.f32 v55, v10  }
0x176: {  	v12 =	vmul.f32 v12, v5;
	v62 =	vmul.f32 $3.333333430e-01, v58;
	[tilespmem:$0x7C51] =	vst v13;
	v13 =	vadd.f32 v57, v60  }
0x177: {  	[tilespmem:$0xAC81] =	vst v9;
	v9 =	vmul.f32 v11, v5;
	v10 =	vmul.f32 $3.333333430e-01, v10  }
0x178: {  	[tilespmem:$0xAC91] =	vst v12;
	v63 =	vmul.f32 $3.333333430e-01, v13;
	v11 =	vmul.f32 v62, v5  }
0x179: {  	[tilespmem:$0xACA1] =	vst v9;
	v9 =	vmul.f32 v10, v5  }
0x17a: {  	[tilespmem:$0xACB1] =	vst v11;
	v10 =	vmul.f32 v63, v5  }
0x17b: {  	[tilespmem:$0xACC1] =	vst v9  }
0x17c: {  	s14 =	simm.s32 $0x2400;
	[tilespmem:$0xACD1] =	vst v10  }
0x17d: {  	v9 =	vld [tilespmem:s14+$0x4F]  }
0x17e: {  	v10 =	vld [tilespmem:s14+$0x4E];
	_ =	sdelay $0x1  }
0x17f: {  	v11 =	vld [tilespmem:s14+$0x50];
	_ =	sdelay $0x2  }
0x180: {  	v9 =	vadd.f32 v9, v10;
	_ =	sdelay $0x1  }
0x181: {  	v9 =	vadd.f32 v11, v9;
	_ =	sdelay $0x1  }
0x182: {  	v9 =	vmul.f32 $3.333333430e-01, v9;
	_ =	sdelay $0x1  }
0x183: {  	v9 =	vmul.f32 v9, v6  }
0x184: {  	s12 =	simm.s32 $0x7E52  }
0x185: {  	[tilespmem:s12+$0xFFFFFE80] =	vst v9  }
0x186: {  	v9 =	vld [tilespmem:s14+$0x0]  }
0x187: {  	v10 =	vld [tilespmem:s14+$0x1];
	_ =	sdelay $0x1  }
0x188: {  	v11 =	vld [tilespmem:s14+$0x2];
	_ =	sdelay $0x2  }
0x189: {  	v10 =	vadd.f32 v10, v9;
	_ =	sdelay $0x1  }
0x18a: {  	v10 =	vadd.f32 v11, v10;
	_ =	sdelay $0x1  }
0x18b: {  	v10 =	vmul.f32 $3.333333430e-01, v10;
	_ =	sdelay $0x1  }
0x18c: {  	v10 =	vmul.f32 v10, v7;
	_ =	sdelay $0x1  }
0x18d: {  	[tilespmem:s12+$0xFFFFFE2E] =	vst v10  }
0x18e: {  	[tilespmem:s12+$0xFFFFFE2F] =	vst v9  }
0x18f: {  	v9 =	vld [tilespmem:s14+$0x10];
	_ =	sdelay $0x4  }
0x190: {  	[tilespmem:s12+$0xFFFFFE3F] =	vst v9  }
0x191: {  	v9 =	vld [tilespmem:s14+$0x20];
	_ =	sdelay $0x4  }
0x192: {  	[tilespmem:s12+$0xFFFFFE4F] =	vst v9  }
0x193: {  	v9 =	vld [tilespmem:s14+$0x30];
	_ =	sdelay $0x4  }
0x194: {  	[tilespmem:s12+$0xFFFFFE5F] =	vst v9  }
0x195: {  	v9 =	vld [tilespmem:s14+$0x40];
	_ =	sdelay $0x4  }
0x196: {  	[tilespmem:s12+$0xFFFFFE6F] =	vst v9  }
0x197: {  	v9 =	vld [tilespmem:s14+$0x50];
	_ =	sdelay $0x3  }
0x198: {  	s26 =	simm.s32 $0x60  }
0x199: {  	s15 =	sor.u32 $0x2E, s26;
	[tilespmem:s12+$0xFFFFFE7F] =	vst v9  }
0x19a: {  	s28 =	sor.u32 $0x2F, s26;
	v9 =	vld [tilespmem:s15+$0x2440]  }
0x19b: {  	v10 =	vld [tilespmem:s28+$0x2440]  }
0x19c: {  	s13 =	sor.u32 $0x30, s26  }
0x19d: {  	v11 =	vld [tilespmem:s13+$0x2440];
	_ =	sdelay $0x2  }
0x19e: {  	v9 =	vadd.f32 v10, v9;
	_ =	sdelay $0x1  }
0x19f: {  	v9 =	vadd.f32 v11, v9;
	_ =	sdelay $0x1  }
0x1a0: {  	v9 =	vmul.f32 $3.333333430e-01, v9;
	_ =	sdelay $0x1  }
0x1a1: {  	v9 =	vmul.f32 v9, v6;
	_ =	sdelay $0x1  }
0x1a2: {  	[tilespmem:s12+$0xFFFFFF00] =	vst v9  }
0x1a3: {  	v9 =	vld [tilespmem:s14+$0x60]  }
0x1a4: {  	v10 =	vld [tilespmem:s14+$0x61];
	_ =	sdelay $0x1  }
0x1a5: {  	v11 =	vld [tilespmem:s14+$0x62];
	_ =	sdelay $0x2  }
0x1a6: {  	v10 =	vadd.f32 v10, v9;
	_ =	sdelay $0x1  }
0x1a7: {  	v10 =	vadd.f32 v11, v10;
	_ =	sdelay $0x1  }
0x1a8: {  	v10 =	vmul.f32 $3.333333430e-01, v10;
	_ =	sdelay $0x1  }
0x1a9: {  	v10 =	vmul.f32 v10, v7;
	_ =	sdelay $0x1  }
0x1aa: {  	[tilespmem:s12+$0xFFFFFEAE] =	vst v10  }
0x1ab: {  	[tilespmem:s12+$0xFFFFFEAF] =	vst v9  }
0x1ac: {  	v9 =	vld [tilespmem:s14+$0x70];
	_ =	sdelay $0x4  }
0x1ad: {  	[tilespmem:s12+$0xFFFFFEBF] =	vst v9  }
0x1ae: {  	v9 =	vld [tilespmem:s14+$0x80];
	_ =	sdelay $0x4  }
0x1af: {  	[tilespmem:s12+$0xFFFFFECF] =	vst v9  }
0x1b0: {  	v9 =	vld [tilespmem:s14+$0x90];
	_ =	sdelay $0x4  }
0x1b1: {  	[tilespmem:s12+$0xFFFFFEDF] =	vst v9  }
0x1b2: {  	v9 =	vld [tilespmem:s14+$0xA0];
	_ =	sdelay $0x4  }
0x1b3: {  	[tilespmem:s12+$0xFFFFFEEF] =	vst v9  }
0x1b4: {  	v9 =	vld [tilespmem:s13+$0x2440];
	_ =	sdelay $0x4  }
0x1b5: {  	[tilespmem:s12+$0xFFFFFEFF] =	vst v9  }
0x1b6: {  	v9 =	vld [tilespmem:s14+$0x10E]  }
0x1b7: {  	v10 =	vld [tilespmem:s14+$0x10F];
	_ =	sdelay $0x1  }
0x1b8: {  	v11 =	vld [tilespmem:s14+$0x110];
	_ =	sdelay $0x2  }
0x1b9: {  	v9 =	vadd.f32 v10, v9;
	_ =	sdelay $0x1  }
0x1ba: {  	v9 =	vadd.f32 v11, v9;
	_ =	sdelay $0x1  }
0x1bb: {  	v9 =	vmul.f32 $3.333333430e-01, v9;
	_ =	sdelay $0x1  }
0x1bc: {  	v9 =	vmul.f32 v9, v6;
	_ =	sdelay $0x1  }
0x1bd: {  	[tilespmem:s12+$0xFFFFFF80] =	vst v9  }
0x1be: {  	v9 =	vld [tilespmem:s14+$0xC0]  }
0x1bf: {  	v10 =	vld [tilespmem:s14+$0xC1];
	_ =	sdelay $0x1  }
0x1c0: {  	v11 =	vld [tilespmem:s14+$0xC2];
	_ =	sdelay $0x2  }
0x1c1: {  	v10 =	vadd.f32 v10, v9;
	_ =	sdelay $0x1  }
0x1c2: {  	v10 =	vadd.f32 v11, v10;
	_ =	sdelay $0x1  }
0x1c3: {  	v10 =	vmul.f32 $3.333333430e-01, v10;
	_ =	sdelay $0x1  }
0x1c4: {  	v10 =	vmul.f32 v10, v7;
	_ =	sdelay $0x1  }
0x1c5: {  	[tilespmem:s12+$0xFFFFFF2E] =	vst v10  }
0x1c6: {  	[tilespmem:s12+$0xFFFFFF2F] =	vst v9  }
0x1c7: {  	v9 =	vld [tilespmem:s14+$0xD0];
	_ =	sdelay $0x4  }
0x1c8: {  	[tilespmem:s12+$0xFFFFFF3F] =	vst v9  }
0x1c9: {  	v9 =	vld [tilespmem:s14+$0xE0];
	_ =	sdelay $0x4  }
0x1ca: {  	[tilespmem:s12+$0xFFFFFF4F] =	vst v9  }
0x1cb: {  	v9 =	vld [tilespmem:s14+$0xF0];
	_ =	sdelay $0x4  }
0x1cc: {  	[tilespmem:s12+$0xFFFFFF5F] =	vst v9  }
0x1cd: {  	v9 =	vld [tilespmem:s14+$0x100];
	_ =	sdelay $0x4  }
0x1ce: {  	[tilespmem:s12+$0xFFFFFF6F] =	vst v9  }
0x1cf: {  	v9 =	vld [tilespmem:s14+$0x110];
	_ =	sdelay $0x3  }
0x1d0: {  	s13 =	simm.s32 $0x2560  }
0x1d1: {  	s29 =	sor.u32 $0x6E, s13;
	[tilespmem:s12+$0xFFFFFF7F] =	vst v9  }
0x1d2: {  	s30 =	sor.u32 $0x6F, s13;
	v9 =	vld [tilespmem:s29+$0x0]  }
0x1d3: {  	v10 =	vld [tilespmem:s30+$0x0]  }
0x1d4: {  	s17 =	sor.u32 $0x70, s13  }
0x1d5: {  	v11 =	vld [tilespmem:s17+$0x0];
	_ =	sdelay $0x2  }
0x1d6: {  	v9 =	vadd.f32 v10, v9;
	_ =	sdelay $0x1  }
0x1d7: {  	v9 =	vadd.f32 v11, v9;
	_ =	sdelay $0x1  }
0x1d8: {  	v9 =	vmul.f32 $3.333333430e-01, v9;
	_ =	sdelay $0x1  }
0x1d9: {  	v9 =	vmul.f32 v9, v6;
	_ =	sdelay $0x1  }
0x1da: {  	[tilespmem:s12+$0x0] =	vst v9  }
0x1db: {  	v9 =	vld [tilespmem:s14+$0x120]  }
0x1dc: {  	v10 =	vld [tilespmem:s14+$0x121];
	_ =	sdelay $0x1  }
0x1dd: {  	v11 =	vld [tilespmem:s14+$0x122];
	_ =	sdelay $0x2  }
0x1de: {  	v10 =	vadd.f32 v10, v9;
	_ =	sdelay $0x1  }
0x1df: {  	v10 =	vadd.f32 v11, v10;
	_ =	sdelay $0x1  }
0x1e0: {  	v10 =	vmul.f32 $3.333333430e-01, v10;
	_ =	sdelay $0x1  }
0x1e1: {  	v10 =	vmul.f32 v10, v7;
	_ =	sdelay $0x1  }
0x1e2: {  	[tilespmem:s12+$0xFFFFFFAE] =	vst v10  }
0x1e3: {  	[tilespmem:s12+$0xFFFFFFAF] =	vst v9  }
0x1e4: {  	v9 =	vld [tilespmem:s14+$0x130];
	_ =	sdelay $0x4  }
0x1e5: {  	[tilespmem:s12+$0xFFFFFFBF] =	vst v9  }
0x1e6: {  	v9 =	vld [tilespmem:s14+$0x140];
	_ =	sdelay $0x3  }
0x1e7: {  	s31 =	simm.s32 $0x2540  }
0x1e8: {  	s15 =	sor.u32 $0x50, s31;
	[tilespmem:s12+$0xFFFFFFCF] =	vst v9  }
0x1e9: {  	v9 =	vld [tilespmem:s15+$0x0];
	_ =	sdelay $0x4  }
0x1ea: {  	[tilespmem:s12+$0xFFFFFFDF] =	vst v9  }
0x1eb: {  	v9 =	vld [tilespmem:s14+$0x160]  }
0x1ec: {  	s16 =	simm.s32 $0x2580;
	s15 =	simm.s32 $0x0;
	s14 =	simm.s32 $0x7E52  }
.LBB2_5:
0x1ed: {  	s15 =	sadd.s32 $0x4, s15;
	s13 =	sadd.s32 $0x180, s13;
	s12 =	sadd.s32 $0x200, s12  }
0x1ee: {  	p0 =	slt.u32 s15, $0x5C;
	_ =	sdelay $0x1  }
0x1ef: {  	[tilespmem:s14+$0xFFFFFFEF] =	vst v9  }
0x1f0: {  	v9 =	vld [tilespmem:s17+$0x0];
	_ =	sdelay $0x4  }
0x1f1: {  	[tilespmem:s14+$0xFFFFFFFF] =	vst v9;
	s14 =	smov.u32 s12  }
0x1f2: {  	v9 =	vld [tilespmem:s16+$0x4F]  }
0x1f3: {  	v10 =	vld [tilespmem:s16+$0x4E];
	_ =	sdelay $0x1  }
0x1f4: {  	v11 =	vld [tilespmem:s16+$0x50];
	_ =	sdelay $0x2  }
0x1f5: {  	v9 =	vadd.f32 v9, v10;
	_ =	sdelay $0x1  }
0x1f6: {  	v9 =	vadd.f32 v11, v9;
	_ =	sdelay $0x1  }
0x1f7: {  	v9 =	vmul.f32 $3.333333430e-01, v9;
	_ =	sdelay $0x1  }
0x1f8: {  	v9 =	vmul.f32 v9, v6;
	_ =	sdelay $0x1  }
0x1f9: {  	[tilespmem:s12+$0xFFFFFE80] =	vst v9  }
0x1fa: {  	v9 =	vld [tilespmem:s16+$0x0]  }
0x1fb: {  	v10 =	vld [tilespmem:s16+$0x1];
	_ =	sdelay $0x1  }
0x1fc: {  	v11 =	vld [tilespmem:s16+$0x2];
	_ =	sdelay $0x2  }
0x1fd: {  	v10 =	vadd.f32 v10, v9;
	_ =	sdelay $0x1  }
0x1fe: {  	v10 =	vadd.f32 v11, v10;
	_ =	sdelay $0x1  }
0x1ff: {  	v10 =	vmul.f32 $3.333333430e-01, v10;
	_ =	sdelay $0x1  }
0x200: {  	v10 =	vmul.f32 v10, v7;
	_ =	sdelay $0x1  }
0x201: {  	[tilespmem:s12+$0xFFFFFE2E] =	vst v10  }
0x202: {  	[tilespmem:s12+$0xFFFFFE2F] =	vst v9  }
0x203: {  	v9 =	vld [tilespmem:s16+$0x10];
	_ =	sdelay $0x4  }
0x204: {  	[tilespmem:s12+$0xFFFFFE3F] =	vst v9  }
0x205: {  	v9 =	vld [tilespmem:s16+$0x20];
	_ =	sdelay $0x4  }
0x206: {  	[tilespmem:s12+$0xFFFFFE4F] =	vst v9  }
0x207: {  	v9 =	vld [tilespmem:s16+$0x30];
	_ =	sdelay $0x4  }
0x208: {  	[tilespmem:s12+$0xFFFFFE5F] =	vst v9  }
0x209: {  	v9 =	vld [tilespmem:s16+$0x40];
	_ =	sdelay $0x4  }
0x20a: {  	[tilespmem:s12+$0xFFFFFE6F] =	vst v9  }
0x20b: {  	v9 =	vld [tilespmem:s16+$0x50];
	_ =	sdelay $0x3  }
0x20c: {  	s17 =	sadd.s32 $0xFFFFDB00, s13  }
0x20d: {  	s18 =	sor.u32 $0x2E, s17;
	[tilespmem:s12+$0xFFFFFE7F] =	vst v9  }
0x20e: {  	v9 =	vld [tilespmem:s18+$0x2440];
	s18 =	sor.u32 $0x2F, s17  }
0x20f: {  	v10 =	vld [tilespmem:s18+$0x2440]  }
0x210: {  	s17 =	sor.u32 $0x30, s17  }
0x211: {  	v11 =	vld [tilespmem:s17+$0x2440];
	_ =	sdelay $0x2  }
0x212: {  	v9 =	vadd.f32 v10, v9;
	_ =	sdelay $0x1  }
0x213: {  	v9 =	vadd.f32 v11, v9;
	_ =	sdelay $0x1  }
0x214: {  	v9 =	vmul.f32 $3.333333430e-01, v9;
	_ =	sdelay $0x1  }
0x215: {  	v9 =	vmul.f32 v9, v6;
	_ =	sdelay $0x1  }
0x216: {  	[tilespmem:s12+$0xFFFFFF00] =	vst v9  }
0x217: {  	v9 =	vld [tilespmem:s16+$0x60]  }
0x218: {  	v10 =	vld [tilespmem:s16+$0x61]  }
0x219: {  	v11 =	vld [tilespmem:s16+$0x62];
	_ =	sdelay $0x3  }
0x21a: {  	v10 =	vadd.f32 v10, v9;
	_ =	sdelay $0x1  }
0x21b: {  	v10 =	vadd.f32 v11, v10;
	_ =	sdelay $0x1  }
0x21c: {  	v10 =	vmul.f32 $3.333333430e-01, v10;
	_ =	sdelay $0x1  }
0x21d: {  	v10 =	vmul.f32 v10, v7;
	_ =	sdelay $0x1  }
0x21e: {  	[tilespmem:s12+$0xFFFFFEAE] =	vst v10  }
0x21f: {  	[tilespmem:s12+$0xFFFFFEAF] =	vst v9  }
0x220: {  	v9 =	vld [tilespmem:s16+$0x70];
	_ =	sdelay $0x4  }
0x221: {  	[tilespmem:s12+$0xFFFFFEBF] =	vst v9  }
0x222: {  	v9 =	vld [tilespmem:s16+$0x80];
	_ =	sdelay $0x4  }
0x223: {  	[tilespmem:s12+$0xFFFFFECF] =	vst v9  }
0x224: {  	v9 =	vld [tilespmem:s16+$0x90];
	_ =	sdelay $0x4  }
0x225: {  	[tilespmem:s12+$0xFFFFFEDF] =	vst v9  }
0x226: {  	v9 =	vld [tilespmem:s16+$0xA0];
	_ =	sdelay $0x4  }
0x227: {  	[tilespmem:s12+$0xFFFFFEEF] =	vst v9  }
0x228: {  	v9 =	vld [tilespmem:s17+$0x2440];
	_ =	sdelay $0x4  }
0x229: {  	[tilespmem:s12+$0xFFFFFEFF] =	vst v9  }
0x22a: {  	v9 =	vld [tilespmem:s16+$0x10E]  }
0x22b: {  	v10 =	vld [tilespmem:s16+$0x10F];
	_ =	sdelay $0x1  }
0x22c: {  	v11 =	vld [tilespmem:s16+$0x110];
	_ =	sdelay $0x2  }
0x22d: {  	v9 =	vadd.f32 v10, v9;
	_ =	sdelay $0x1  }
0x22e: {  	v9 =	vadd.f32 v11, v9;
	_ =	sdelay $0x1  }
0x22f: {  	v9 =	vmul.f32 $3.333333430e-01, v9;
	_ =	sdelay $0x1  }
0x230: {  	v9 =	vmul.f32 v9, v6;
	_ =	sdelay $0x1  }
0x231: {  	[tilespmem:s12+$0xFFFFFF80] =	vst v9  }
0x232: {  	v9 =	vld [tilespmem:s16+$0xC0]  }
0x233: {  	v10 =	vld [tilespmem:s16+$0xC1]  }
0x234: {  	v11 =	vld [tilespmem:s16+$0xC2];
	_ =	sdelay $0x3  }
0x235: {  	v10 =	vadd.f32 v10, v9;
	_ =	sdelay $0x1  }
0x236: {  	v10 =	vadd.f32 v11, v10;
	_ =	sdelay $0x1  }
0x237: {  	v10 =	vmul.f32 $3.333333430e-01, v10;
	_ =	sdelay $0x1  }
0x238: {  	v10 =	vmul.f32 v10, v7;
	_ =	sdelay $0x1  }
0x239: {  	[tilespmem:s12+$0xFFFFFF2E] =	vst v10  }
0x23a: {  	[tilespmem:s12+$0xFFFFFF2F] =	vst v9  }
0x23b: {  	v9 =	vld [tilespmem:s16+$0xD0];
	_ =	sdelay $0x4  }
0x23c: {  	[tilespmem:s12+$0xFFFFFF3F] =	vst v9  }
0x23d: {  	v9 =	vld [tilespmem:s16+$0xE0];
	_ =	sdelay $0x4  }
0x23e: {  	[tilespmem:s12+$0xFFFFFF4F] =	vst v9  }
0x23f: {  	v9 =	vld [tilespmem:s16+$0xF0];
	_ =	sdelay $0x4  }
0x240: {  	[tilespmem:s12+$0xFFFFFF5F] =	vst v9  }
0x241: {  	v9 =	vld [tilespmem:s16+$0x100];
	_ =	sdelay $0x4  }
0x242: {  	[tilespmem:s12+$0xFFFFFF6F] =	vst v9  }
0x243: {  	v9 =	vld [tilespmem:s16+$0x110];
	_ =	sdelay $0x4  }
0x244: {  	s17 =	sor.u32 $0x6E, s13;
	[tilespmem:s12+$0xFFFFFF7F] =	vst v9  }
0x245: {  	v9 =	vld [tilespmem:s17+$0x0];
	s17 =	sor.u32 $0x6F, s13  }
0x246: {  	v10 =	vld [tilespmem:s17+$0x0];
	s17 =	sor.u32 $0x70, s13  }
0x247: {  	v11 =	vld [tilespmem:s17+$0x0];
	_ =	sdelay $0x3  }
0x248: {  	v9 =	vadd.f32 v10, v9;
	_ =	sdelay $0x1  }
0x249: {  	v9 =	vadd.f32 v11, v9;
	_ =	sdelay $0x1  }
0x24a: {  	v9 =	vmul.f32 $3.333333430e-01, v9;
	_ =	sdelay $0x1  }
0x24b: {  	v9 =	vmul.f32 v9, v6;
	_ =	sdelay $0x1  }
0x24c: {  	[tilespmem:s12+$0x0] =	vst v9  }
0x24d: {  	v9 =	vld [tilespmem:s16+$0x120]  }
0x24e: {  	v10 =	vld [tilespmem:s16+$0x121]  }
0x24f: {  	v11 =	vld [tilespmem:s16+$0x122];
	_ =	sdelay $0x3  }
0x250: {  	v10 =	vadd.f32 v10, v9;
	_ =	sdelay $0x1  }
0x251: {  	v10 =	vadd.f32 v11, v10;
	_ =	sdelay $0x1  }
0x252: {  	v10 =	vmul.f32 $3.333333430e-01, v10;
	_ =	sdelay $0x1  }
0x253: {  	v10 =	vmul.f32 v10, v7;
	_ =	sdelay $0x1  }
0x254: {  	[tilespmem:s12+$0xFFFFFFAE] =	vst v10  }
0x255: {  	[tilespmem:s12+$0xFFFFFFAF] =	vst v9  }
0x256: {  	v9 =	vld [tilespmem:s16+$0x130];
	_ =	sdelay $0x4  }
0x257: {  	[tilespmem:s12+$0xFFFFFFBF] =	vst v9  }
0x258: {  	v9 =	vld [tilespmem:s16+$0x140];
	_ =	sdelay $0x3  }
0x259: {  	s18 =	sadd.s32 $0xFFFFFFE0, s13  }
0x25a: {  	s18 =	sor.u32 $0x50, s18;
	[tilespmem:s12+$0xFFFFFFCF] =	vst v9  }
0x25b: {  	v9 =	vld [tilespmem:s18+$0x0];
	_ =	sdelay $0x2  }
.Ltmp1:
0x25c: {  	(pc) =	sbr.rel @p0 .LBB2_5-.Ltmp1, $4  }
0x25d: {  	_ = 	snop  }
0x25e: {  	[tilespmem:s12+$0xFFFFFFDF] =	vst v9  }
0x25f: {  	v9 =	vld [tilespmem:s16+$0x160]  }
0x260: {  	s16 =	sadd.s32 $0x180, s16  }
0x261: {  	_ =	sdelay $0x2  }
0x262: {  	[tilespmem:s14+$0xFFFFFFEF] =	vst v9  }
0x263: {  	v9 =	vld [tilespmem:s17+$0x0]  }
0x264: {  	s12 =	smul.u32 $0x6800, s11;
	_ =	sdelay $0x1  }
0x265: {  	s11 =	sadd.s32 $0x1, s11;
	s12 =	sadd.s32 s4, s12  }
0x266: {  	p0 =	sne.s32 s11, $0x30;
	s12 =	sshrl.u32 s12, $0x3  }
.Ltmp2:
0x267: {  	s12 =	sadd.s32 s5, s12;
	[tilespmem:s14+$0xFFFFFFFF] =	vst v9;
	(pc) =	sbr.rel @p0 .LBB2_2-.Ltmp2, $4  }
0x268: {  	[hbm4b:s12+s3] =	stream.linear.scatter [tilespmem:s9], [sflag:$0x1], $0x6800, $0x38;
	[tilespmem:$0xB080] =	vst v63  }
0x269: {  	_ =	swait.ge [sflag:s8], $0x6800  }
0x26a: {  	[sflag:s8] =	ssyncset.done $0x0  }
0x26b: {  	[sflag:s8] =	ssyncadd.s32 $0xFFFF9800  }
0x26c: {  	s10 =	sadd.s32 $0x1, s10  }
0x26d: {  	p0 =	sne.s32 s10, s7  }
.Ltmp3:
0x26e: {  	_ = 	snop;
	(pc) =	sbr.rel @p0 .LBB2_1-.Ltmp3, $1  }
0x26f: {  	_ =	sdelay $0x3  }
0x270: {  	_ =	sfence.sel $0x180000  }
0x271: {  	[bflag:$0x0] =	sbarrier.arrive $0xFFFF  }
0x272: {  	p0 =	sne.s32 s0, $0x0;
	_ =	strace $0x90000047  }
0x273: {  	s0 =	sadd.s32 @!p0 $0x100000, s2;
	[bflag:$0x2] =	sbarrier.arrive $0xFFFF  }
0x274: {  	[sflag:s0] =	ssyncadd.tile.s32 @!p0 $0x1;
	_ =	shalt  }
.Lfunc_end2:
_tile_overlayer_lowered:
.L_overlay_start_2:
0x275: {  	(tag) =	ssettag $0x2  }
0x276: {  	s0 =	rddreg [dreg:$0x0];
	s2 =	stileid.u32  }
0x277: {  	s1 =	rddreg [dreg:$0x1];
	p0 =	sne.s32 s2, $0x0  }
0x278: {  	s3 =	rddreg [dreg:$0x2];
	[bflag:$0x3] =	sbarrier.arrive $0xFFFF;
	s2 =	simm.s32 @!p0 $0x1C01  }
0x279: {  	[timem:s3], [sflag:s2] =	dma.local @!p0 [hbm:s0], s1  }
0x27a: {  	s0 =	simm.s32 @!p0 $0x1  }
0x27b: {  	_ =	swait.ge @!p0 [sflag:s0], s1  }
0x27c: {  	s1 =	ssub.s32 @!p0 $0x0, s1;
	[sflag:s0] =	ssyncset.done @!p0 $0x0  }
0x27d: {  	[sflag:s0] =	ssyncadd.s32 @!p0 s1  }
0x27e: {  	[bflag:$0x3] =	sbarrier.arrive $0xFFFF  }
0x27f: {  	_ =	shalt  }

// kernel: sparse-core-data-format-call.cloned.1.call-start
scs
called_computation_lowered:
.L_overlay_start_0:
0x0: {  	s2 =	sld [smem:$0x3FD9]  }
0x1: {  	s3 =	sld [smem:$0x3FFE];
	_ =	sdelay $0x1  }
0x2: {  	s1 =	srdreg.scid  }
0x3: {  	s0 =	sand.u32 $0x1, s1  }
0x4: {  	s18 =	sshll.u32 s0, $0xA;
	s2 =	sadd.s32 s3, s2  }
0x5: {  	s2 =	sadd.s32 s2, s18  }
0x6: {  	[smem:$0x3FC7] =	sst s2  }
0x7: {  	_ = 	snop  }
0x8: {  	s2 =	sld [smem:$0x3FD0];
	(tm) =	ssettm $0x1  }
0x9: {  	s19 =	sld [smem:$0x3FFB];
	_ =	sdelay $0x3  }
0xa: {  	_ =	strace s19  }
0xb: {  	s3 =	sld [smem:$0x3FFC];
	_ =	sdelay $0x3  }
0xc: {  	_ =	strace s3  }
0xd: {  	s3 =	sld [smem:$0x3FFD];
	_ =	sdelay $0x3  }
0xe: {  	_ =	strace s3  }
0xf: {  	_ =	strace $0x8FFFFFFF  }
0x10: {  	s20 =	sld [smem:$0x3FDB];
	_ =	sdelay $0x1  }
0x11: {  	s4 =	simm.s32 $_scs_section_size  }
0x12: {  	s5 =	simm.s32 $_size__tile_overlayer_lowered;
	s6 =	simm.s32 $_tile_overlayer_lowered  }
0x13: {  	s23 =	simm.s32 $0x1BFF;
	s22 =	sshll.u32 s6, $0x1;
	s3 =	sadd.s32 s4, s20  }
0x14: {  	s7 =	simm.s32 $0x0;
	s21 =	sshll.u32 s5, $0x1;
	s5 =	sadd.s32 s22, s3  }
0x15: {  	[timem:s7], [sflag:s23] =	dma.local [hbm:s5], s21  }
0x16: {  	_ =	swait.ge [sflag:s23], s21  }
0x17: {  	s4 =	ssub.s32 $0x0, s21;
	[sflag:s23] =	ssyncset.done $0x0  }
0x18: {  	[sflag:s23] =	ssyncadd.s32 s4;
	_ =	sdelay $0x1  }
0x19: {  	s24 =	simm.s32 $0x1B8B  }
0x1a: {  	_ =	swait.ge [sflag:s24], $0x1  }
0x1b: {  	[sflag:s24] =	ssyncset.done $0x0  }
0x1c: {  	s26 =	simm.s32 $0x1B8E;
	s25 =	sld [smem:$0x3FFE];
	[sflag:s24] =	ssyncadd.s32 $0xFFFFFFFF  }
0x1d: {  	s27 =	simm.s32 $execute0_lowered;
	[smem:$0x3FD2] =	sst s26  }
0x1e: {  	s5 =	sshll.u32 s27, $0x1;
	_ =	strace $0x80000049;
	[dreg:$0x1] =	wrdreg $0xFFFFFFFF  }
0x1f: {  	s28 =	simm.s32 $_size_execute0_lowered;
	s3 =	sadd.s32 s3, s5;
	[dreg:$0x0] =	wrdreg $0x0  }
0x20: {  	s5 =	sshll.u32 s28, $0x1;
	[dreg:$0x2] =	wrdreg s3  }
0x21: {  	[dreg:$0x3] =	wrdreg s5  }
0x22: {  	[dreg:$0x4] =	wrdreg $0xC0  }
0x23: {  	_ =	task [dreg:s7], $0x5FFFF  }
0x24: {  	[dreg:$0x1] =	wrdreg $0xFFFFFFFF  }
0x25: {  	[dreg:$0x0] =	wrdreg $0x60  }
0x26: {  	[dreg:$0x2] =	wrdreg s25  }
0x27: {  	[dreg:$0x3] =	wrdreg s2  }
0x28: {  	[dreg:$0x4] =	wrdreg $0x9  }
0x29: {  	_ =	task.clear_ibuf [dreg:s7], $0x5FFFF;
	_ =	strace $0x90000049  }
0x2a: {  	s29 =	simm.s32 $0x9;
	_ =	strace $0x8000004B  }
0x2b: {  	_ =	swait.ge [sflag:s29], $0x1  }
0x2c: {  	[sflag:s29] =	ssyncadd.s32 $0xFFFFFFFF  }
0x2d: {  	_ =	strace $0x9000004B  }
0x2e: {  	_ =	sfence  }
0x2f: {  	s30 =	sld [smem:$0x0];
	_ =	sdelay $0x2  }
0x30: {  	s31 =	sshll.u32 s1, $0xD;
	s1 =	sshrl.u32 s1, $0x2  }
0x31: {  	s3 =	sand.u32 $0x4000, s31;
	s1 =	sadd.s32 s1, s30  }
0x32: {  	s0 =	sor.u32 s3, s0;
	s1 =	sshll.u32 s1, $0x11  }
0x33: {  	s0 =	sor.u32 s1, s0  }
0x34: {  	s0 =	sadd.s32 $0x8F2B, s0  }
0x35: {  	[sflag:s0] =	ssyncadd.remote.s32 $0x1  }
0x36: {  	_ =	sfence.sel $0xFFFF  }
0x37: {  	[dreg:$0x0] =	wrdreg $0xFFFFFFFF;
	(pc) =	sbr.abs _section_cstart, $3  }
0x38: {  	[dreg:$0x1] =	wrdreg $0xFFFFFFFF  }
0x39: {  	_ =	task.clear_ibuf [dreg:s7], $0x2FFFF;
	_ =	strace $0x9FFFFFFF  }
0x3a: {  	(tm) =	ssettm $0x7FFFFFFF  }
0x3b: {  	_ =	shalt  }
tec
execute0_lowered:
.L_overlay_start_1:
0x0: {  	(tag) =	ssettag $0x1  }
0x1: {  	s4 =	rddreg [dreg:$0x0]  }
0x2: {  	s2 =	rddreg [dreg:$0x1]  }
0x3: {  	s0 =	rddreg [dreg:$0x2];
	_ =	strace $0x8000004A  }
0x4: {  	s3 =	srdreg.scid;
	s1 =	stileid.u32;
	s6 =	simm.s32 $0x2  }
0x5: {  	s16 =	simm.s32 $0x0;
	p0 =	por $0x0, $0x0;
	s7 =	simm.s32 $0x3000  }
0x6: {  	s15 =	simm.s32 $0x0;
	s17 =	simm.s32 $0x0;
	s8 =	simm.s32 $0x0  }
.Ltmp0:
0x7: {  	s10 =	simm.s32 $0x0;
	s11 =	simm.s32 $0x0;
	(pc) =	sbr.rel .LBB1_1-.Ltmp0, $4  }
0x8: {  	s12 =	simm.s32 $0x0;
	s13 =	simm.s32 $0x0;
	s5 =	sshll.u32 s3, $0x4  }
0x9: {  	s9 =	simm.s32 $0x0;
	s3 =	simm.s32 $0x1;
	s5 =	sand.u32 $0x10, s5  }
0xa: {  	s4 =	sadd.s32 $0x800, s4;
	[sflag:s3] =	ssyncpa.u1 $0x0;
	s5 =	sor.u32 s1, s5  }
0xb: {  	[sflag:s6] =	ssyncpa.u1 $0x0;
	s6 =	simm.s32 $0x1000;
	s14 =	smov.u32 s5  }
.LBB1_7:
0xc: {  	p1 =	slt.u32 s9, $0x2;
	s18 =	smov.u32 s17  }
0xd: {  	p2 =	sgt.s32 @!p1 s17, $0x1F;
	s19 =	sshra.s32 @!p1 s17, $0x1F;
	p3 =	sgt.s32 @!p1 s15, $0x40  }
0xe: {  	s20 =	sshra.s32 @!p1 s15, $0x1F;
	p2 =	por !p2, p1;
	s17 =	sand.u32 @!p1 s19, s17  }
0xf: {  	s19 =	smov.u32 s16;
	p3 =	por !p3, p1;
	s18 =	simm.s32 @p2 $0x1F  }
0x10: {  	p2 =	sgt.s32 @!p1 s16, $0x5E;
	s17 =	ssub.s32 @!p1 s18, s17;
	s18 =	sshra.s32 @!p1 s16, $0x1F  }
0x11: {  	p2 =	por !p2, p1;
	s16 =	sand.u32 @!p1 s18, s16;
	s18 =	smov.u32 s15  }
0x12: {  	s19 =	simm.s32 @p2 $0x5E;
	s15 =	sand.u32 @!p1 s20, s15;
	s18 =	simm.s32 @p3 $0x40  }
0x13: {  	s17 =	sadd.s32 @!p1 $0xFFFFFFE1, s17;
	s16 =	ssub.s32 @!p1 s19, s16;
	s15 =	ssub.s32 @!p1 s18, s15  }
0x14: {  	p2 =	sgt.s32 @!p1 s17, $0x0;
	s17 =	sshll.u32 @!p1 s17, $0x7;
	s19 =	sadd.s32 @!p1 $0xFFFFFFC0, s15  }
0x15: {  	s18 =	sadd.s32 @!p1 $0xFFFFFFA2, s16;
	s17 =	ssub.s32 @!p1 $0x80, s17;
	p3 =	sgt.s32 @!p1 s19, $0x1F  }
0x16: {  	p2 =	por !p2, p1;
	s15 =	ssub.s32 @!p1 $0x60, s15;
	p3 =	por !p3, p1  }
0x17: {  	s17 =	simm.s32 @!p2 $0x0;
	s15 =	simm.s32 @!p3 $0x0;
	p3 =	sgt.s32 @!p1 s18, $0x3  }
0x18: {  	s16 =	ssub.s32 @!p1 $0x62, s16;
	p2 =	por !p3, p1;
	s15 =	smul.u32 @!p1 s15, s17  }
0x19: {  	s19 =	smov.u32 s13;
	s18 =	sadd.s32 $0x4, s12;
	s16 =	simm.s32 @!p2 $0x0  }
0x1a: {  	p2 =	sgt.s32 s18, $0x61;
	s15 =	smul.u32 @!p1 s16, s15;
	s16 =	sadd.s32 $0x20, s13  }
0x1b: {  	s19 =	smov.u32 @p2 s16  }
0x1c: {  	s21 =	smov.u32 s14;
	s16 =	sadd.s32 $0x20, s14;
	p3 =	sgt.s32 s19, $0x5F  }
0x1d: {  	s9 =	sadd.s32 $0x1, s9;
	p0 =	por !p0, !p0;
	s21 =	smov.u32 @p3 s16  }
0x1e: {  	s20 =	simm.s32 @!p1 $0x2;
	s18 =	simm.s32 @p2 $0x0;
	p2 =	sgt.s32 s21, $0x1F  }
0x1f: {  	s17 =	smov.u32 s11;
	s21 =	smov.u32 @p2 s5;
	p2 =	sne.s32 s9, $0x4D  }
.Ltmp1:
0x20: {  	s11 =	smov.u32 s14;
	s15 =	sand.u32 @!p1 $0x3FFFFF80, s15;
	(pc) =	sbr.rel @!p2 .LBB1_8-.Ltmp1, $4  }
0x21: {  	_ =	swait.ge @!p1 [sflag:s20], s15;
	s22 =	ssub.s32 @!p1 $0x0, s15;
	s16 =	smov.u32 s8  }
0x22: {  	s15 =	smov.u32 s10;
	s19 =	simm.s32 @p3 $0x0;
	s8 =	smov.u32 s12  }
0x23: {  	s10 =	smov.u32 s13;
	s12 =	smov.u32 s18;
	[sflag:s20] =	ssyncset.done @!p1 $0x0  }
0x24: {  	s13 =	smov.u32 s19;
	[sflag:s20] =	ssyncadd.s32 @!p1 s22;
	s14 =	smov.u32 s21  }
.LBB1_1:
0x25: {  	p1 =	sgt.u32 s9, $0x4A  }
0x26: {  	s18 =	sand.u32 @!p1 $0x1FFFFFF, s12;
	s20 =	smul.u32 @!p1 $0x27000, s14  }
0x27: {  	s19 =	smulhi.u32 @!p1 $0x2762763, s18  }
0x28: {  	s22 =	smul.u32 @!p1 $0x680, s13  }
0x29: {  	s19 =	smul.u32 @!p1 $0x68, s19  }
0x2a: {  	s20 =	sadd.s32 @!p1 s4, s20  }
0x2b: {  	s21 =	sxor.u32 @!p1 $0xFFFFFFFF, s9;
	s20 =	sadd.s32 @!p1 s22, s20;
	s18 =	ssub.s32 @!p1 s18, s19  }
0x2c: {  	s19 =	sshll.u32 @!p1 s21, $0xE;
	s21 =	simm.s32 @!p1 $0x3400;
	s18 =	sshll.u32 @!p1 s18, $0x4  }
0x2d: {  	s19 =	sand.u32 @!p1 $0x4000, s19;
	s18 =	sadd.s32 @!p1 s18, s20;
	s20 =	simm.s32 @!p1 $0x200  }
0x2e: {  	[tilespmem:s19], [sflag:$0x1] =	stream.strided.gather @!p1 [hbm4b:s18+s20], $0x4000, s21, s20, $0x38;
	[tilespmem:$0x10000] =	vst v63  }
0x2f: {  	p1 =	seq.s32 s9, $0x0  }
0x30: {  	p2 =	seq.s32 @!p1 s9, $0x4C  }
0x31: {  	p1 =	por p1, p2  }
.Ltmp2:
0x32: {  	_ = 	snop;
	(pc) =	sbr.rel @p1 .LBB1_7-.Ltmp2, $1  }
0x33: {  	_ =	sdelay $0x3  }
0x34: {  	s18 =	simm.s32 $0x1;
	_ =	swait.ge [sflag:s3], $0x4000;
	s21 =	sshll.u32 s9, $0xE  }
0x35: {  	s18 =	simm.s32 @!p0 $0x0;
	[sflag:s3] =	ssyncset.done $0x0;
	s31 =	sand.u32 $0x4000, s21  }
0x36: {  	s21 =	simm.s32 $0x0;
	s18 =	sshll.u32 s18, $0xE;
	[sflag:s3] =	ssyncadd.s32 $0xFFFFC000  }
0x37: {  	s19 =	sor.u32 $0x8040, s18;
	s20 =	sor.u32 $0x40, s18;
	s18 =	sor.u32 $0x8000, s31  }
.LBB1_3:
0x38: {  	v0 =	vmov s20;
	_ =	sdelay $0x3  }
0x39: {  	s23 =	simm.s32 $0x0  }
0x3a: {  	v6 =	vld.idx.msk [tilespmem:v0+s23+$0x30 ss:$0x1], $0xffff  }
0x3b: {  	v7 =	vld.idx.msk [tilespmem:v0+s23+$0xFFFFFFC0 ss:$0x1], $0xffff  }
0x3c: {  	v5 =	vld.idx.msk [tilespmem:v0+s23+$0xFFFFFFD0 ss:$0x1], $0xffff  }
0x3d: {  	v4 =	vld.idx.msk [tilespmem:v0+s23+$0xFFFFFFE0 ss:$0x1], $0xffff  }
0x3e: {  	v3 =	vld.idx.msk [tilespmem:v0+s23+$0xFFFFFFF0 ss:$0x1], $0xffff  }
0x3f: {  	v1 =	vld.idx.msk [tilespmem:v0+s23+$0x0 ss:$0x1], $0xffff  }
0x40: {  	v2 =	vld.idx.msk [tilespmem:v0+s23+$0x10 ss:$0x1], $0xffff;
	[tilespmem:s19+$0x30] =	vst v6  }
0x41: {  	s22 =	simm.s32 $0x80;
	s24 =	simm.s32 $0x400;
	[tilespmem:s19+$0xFFFFFFC0] =	vst v7;
	v6 =	vld.idx.msk [tilespmem:v0+s23+$0x20 ss:$0x1], $0xffff;
	s23 =	smov.u32 s19  }
.LBB1_4:
0x42: {  	p1 =	sne.s32 s24, $0x600;
	v7 =	vld.idx.msk [tilespmem:v0+s22+$0x30 ss:$0x1], $0xffff;
	[tilespmem:s23+$0xFFFFFFD0] =	vst v5  }
0x43: {  	v8 =	vld.idx.msk [tilespmem:v0+s22+$0xFFFFFFC0 ss:$0x1], $0xffff;
	[tilespmem:s23+$0xFFFFFFE0] =	vst v4  }
0x44: {  	v5 =	vld.idx.msk [tilespmem:v0+s22+$0xFFFFFFD0 ss:$0x1], $0xffff;
	[tilespmem:s23+$0xFFFFFFF0] =	vst v3  }
.Ltmp3:
0x45: {  	v4 =	vld.idx.msk [tilespmem:v0+s22+$0xFFFFFFE0 ss:$0x1], $0xffff;
	[tilespmem:s23+$0x0] =	vst v1;
	(pc) =	sbr.rel @p1 .LBB1_4-.Ltmp3, $4  }
0x46: {  	v3 =	vld.idx.msk [tilespmem:v0+s22+$0xFFFFFFF0 ss:$0x1], $0xffff;
	[tilespmem:s23+$0x10] =	vst v2  }
0x47: {  	v1 =	vld.idx.msk [tilespmem:v0+s22+$0x0 ss:$0x1], $0xffff;
	[tilespmem:s23+$0x20] =	vst v6;
	s23 =	sadd.s32 $0x1000, s23  }
0x48: {  	v2 =	vld.idx.msk [tilespmem:v0+s22+$0x10 ss:$0x1], $0xffff;
	[tilespmem:s23+$0x30] =	vst v7  }
0x49: {  	[tilespmem:s23+$0xFFFFFFC0] =	vst v8;
	v6 =	vld.idx.msk [tilespmem:v0+s22+$0x20 ss:$0x1], $0xffff;
	s22 =	sshra.s32 s24, $0x2;
	s24 =	sadd.s32 $0x200, s24  }
0x4a: {  	_ =	sdelay $0x2  }
0x4b: {  	[tilespmem:s23+$0xFFFFFFD0] =	vst v5  }
0x4c: {  	v56 =	vld.idx.msk [tilespmem:v0+s22+$0x30 ss:$0x1], $0xffff;
	[tilespmem:s23+$0xFFFFFFE0] =	vst v4  }
0x4d: {  	v57 =	vld.idx.msk [tilespmem:v0+s22+$0xFFFFFFC0 ss:$0x1], $0xffff;
	[tilespmem:s23+$0xFFFFFFF0] =	vst v3  }
0x4e: {  	v58 =	vld.idx.msk [tilespmem:v0+s22+$0xFFFFFFD0 ss:$0x1], $0xffff;
	[tilespmem:s23+$0x0] =	vst v1  }
0x4f: {  	v59 =	vld.idx.msk [tilespmem:v0+s22+$0xFFFFFFE0 ss:$0x1], $0xffff;
	[tilespmem:s23+$0x10] =	vst v2  }
0x50: {  	v60 =	vld.idx.msk [tilespmem:v0+s22+$0xFFFFFFF0 ss:$0x1], $0xffff;
	s31 =	sadd.s32 $0x1000, s23;
	[tilespmem:s23+$0x20] =	vst v6  }
0x51: {  	v61 =	vld.idx.msk [tilespmem:v0+s22+$0x0 ss:$0x1], $0xffff;
	[tilespmem:s31+$0x30] =	vst v56  }
0x52: {  	v62 =	vld.idx.msk [tilespmem:v0+s22+$0x10 ss:$0x1], $0xffff;
	s21 =	sadd.s32 $0x1, s21;
	[tilespmem:s31+$0xFFFFFFC0] =	vst v57  }
0x53: {  	v63 =	vld.idx.msk [tilespmem:v0+s22+$0x20 ss:$0x1], $0xffff;
	p1 =	sne.s32 s21, $0x20;
	[tilespmem:s31+$0xFFFFFFD0] =	vst v58  }
.Ltmp4:
0x54: {  	[tilespmem:s31+$0xFFFFFFE0] =	vst v59;
	(pc) =	sbr.rel @p1 .LBB1_3-.Ltmp4, $4  }
0x55: {  	[tilespmem:s31+$0xFFFFFFF0] =	vst v60  }
0x56: {  	[tilespmem:s31+$0x0] =	vst v61  }
0x57: {  	[tilespmem:s31+$0x10] =	vst v62  }
0x58: {  	s19 =	sadd.s32 $0x80, s19;
	s20 =	sadd.s32 $0x200, s20;
	[tilespmem:s31+$0x20] =	vst v63  }
0x59: {  	s19 =	sand.u32 $0x1FFFFFF, s10;
	p1 =	sgt.s32 s11, $0x1F;
	s21 =	smov.u32 s11  }
0x5a: {  	s22 =	sshra.s32 s11, $0x1F;
	s23 =	smov.u32 s10;
	s28 =	smul.u32 $0x24C00, s11  }
0x5b: {  	s24 =	sshra.s32 s10, $0x1F;
	s27 =	sshra.s32 s8, $0x1F;
	s29 =	smul.u32 $0x600, s8  }
0x5c: {  	s20 =	smulhi.u32 $0x2AAAAAB, s19;
	s21 =	simm.s32 @!p1 $0x1F;
	s22 =	sand.u32 s22, s11  }
0x5d: {  	p1 =	sgt.s32 s10, $0x40;
	s26 =	sand.u32 s24, s10;
	s24 =	smov.u32 s8  }
0x5e: {  	s21 =	ssub.s32 s21, s22;
	s23 =	simm.s32 @!p1 $0x40;
	p1 =	sgt.s32 s8, $0x5E  }
0x5f: {  	s20 =	smul.u32 $0x60, s20;
	s21 =	sadd.s32 $0xFFFFFFE1, s21;
	s22 =	ssub.s32 s23, s26  }
0x60: {  	s24 =	simm.s32 @!p1 $0x5E;
	p2 =	sgt.s32 s21, $0x0;
	s23 =	sadd.s32 $0xFFFFFFC0, s22  }
0x61: {  	s21 =	sshll.u32 s21, $0x7;
	p1 =	sgt.s32 s23, $0x1F;
	s23 =	sand.u32 s27, s8  }
0x62: {  	s22 =	ssub.s32 $0x60, s22;
	s21 =	ssub.s32 $0x80, s21;
	s23 =	ssub.s32 s24, s23  }
0x63: {  	s22 =	simm.s32 @p1 $0x0;
	s21 =	simm.s32 @p2 $0x0;
	s24 =	sadd.s32 $0xFFFFFFA2, s23  }
0x64: {  	s21 =	smul.u32 s22, s21;
	s22 =	ssub.s32 $0x62, s23;
	p1 =	sgt.s32 s24, $0x3  }
.Ltmp5:
0x65: {  	s22 =	simm.s32 @p1 $0x0;
	(pc) =	sbr.rel .LBB1_7-.Ltmp5, $4  }
0x66: {  	s31 =	sadd.s32 s2, s28;
	s19 =	ssub.s32 s19, s20;
	s30 =	smul.u32 s22, s21  }
0x67: {  	s19 =	sshll.u32 s19, $0x4;
	s21 =	sadd.s32 s29, s31  }
0x68: {  	s19 =	sadd.s32 s19, s21;
	s20 =	sand.u32 $0x3FFFFF80, s30  }
0x69: {  	[hbm4b:s19+s6] =	stream.strided.scatter [tilespmem:s18], [sflag:$0x2], s20, s7, s6, $0x38;
	[tilespmem:$0x10000] =	vst v63  }
.LBB1_8:
0x6a: {  	_ =	sfence.sel $0x180000  }
0x6b: {  	s2 =	simm.s32 $0x1;
	[bflag:$0x0] =	sbarrier.arrive $0xFFFF  }
0x6c: {  	s31 =	simm.s32 $0x2;
	[sflag:s2] =	ssyncpa.u1 $0x1  }
0x6d: {  	[sflag:s31] =	ssyncpa.u1 $0x1  }
0x6e: {  	p0 =	sne.s32 s1, $0x0;
	_ =	strace $0x9000004A  }
0x6f: {  	s0 =	sadd.s32 @!p0 $0x100000, s0;
	[bflag:$0x2] =	sbarrier.arrive $0xFFFF  }
0x70: {  	[sflag:s0] =	ssyncadd.tile.s32 @!p0 $0x1;
	_ =	shalt  }
.Lfunc_end1:
_tile_overlayer_lowered:
.L_overlay_start_2:
0x71: {  	(tag) =	ssettag $0x2  }
0x72: {  	s0 =	rddreg [dreg:$0x0];
	s2 =	stileid.u32  }
0x73: {  	s1 =	rddreg [dreg:$0x1];
	p0 =	sne.s32 s2, $0x0  }
0x74: {  	s3 =	rddreg [dreg:$0x2];
	[bflag:$0x3] =	sbarrier.arrive $0xFFFF;
	s2 =	simm.s32 @!p0 $0x1C01  }
0x75: {  	[timem:s3], [sflag:s2] =	dma.local @!p0 [hbm:s0], s1  }
0x76: {  	s0 =	simm.s32 @!p0 $0x1  }
0x77: {  	_ =	swait.ge @!p0 [sflag:s0], s1  }
0x78: {  	s1 =	ssub.s32 @!p0 $0x0, s1;
	[sflag:s0] =	ssyncset.done @!p0 $0x0  }
0x79: {  	[sflag:s0] =	ssyncadd.s32 @!p0 s1  }
0x7a: {  	[bflag:$0x3] =	sbarrier.arrive $0xFFFF  }
0x7b: {  	_ =	shalt  }

</sc_bundles>
